<compile_context>
chip_gen: v7x
topology: tpu7x:2x2x1
jax: 0.10.2.dev20260603
libtpu: 0.0.44.dev20260713+nightly
codegen_flags: <defaults>
</compile_context>

<pallas_src>
import functools

import jax
import jax.numpy as jnp
from jax import lax
from jax.experimental import pallas as pl
from jax.experimental.pallas import tpu as pltpu
from jax.experimental.pallas import tpu_sc as plsc

_K = 20
_NAGG = 100
_ITERS = 10



def _topk_body(a0_ref, a1_ref, out_ref, idx_scr):
    L, B, N = a0_ref.shape
    x0 = a0_ref[0]
    x1 = a1_ref[0]
    for l in range(1, L):
        x0 = x0 + a0_ref[l]
        x1 = x1 + a1_ref[l]
    x0 = x0 * (1.0 / L)
    x1 = x1 * (1.0 / L)
    m = jnp.maximum(x0, x1)
    e0 = jnp.exp(x0 - m)
    e1 = jnp.exp(x1 - m)
    p = e1 / (e0 + e1)

    iota_n = lax.broadcasted_iota(jnp.int32, (B, N), 1)

    def body(j, s):
        mx = jnp.max(s, axis=1, keepdims=True)
        sel = jnp.min(jnp.where(s == mx, iota_n, N), axis=1, keepdims=True)
        idx_scr[pl.ds(j, 1), :] = jnp.transpose(sel)
        return jnp.where(iota_n == sel, -1.0, s)

    lax.fori_loop(0, _NAGG, body, p)

    idx_all = jnp.transpose(idx_scr[...])
    l_iota = lax.broadcasted_iota(jnp.int32, (B, _NAGG, L), 2)
    b_iota = lax.broadcasted_iota(jnp.int32, (B, _NAGG, L), 0)
    out_ref[...] = l_iota * (B * N) + b_iota * N + idx_all[:, :, None]


def _topk_call(a0, a1):
    L, B, N = a0.shape
    return pl.pallas_call(
        _topk_body,
        out_shape=jax.ShapeDtypeStruct((B, _NAGG, L), jnp.int32),
        scratch_shapes=[pltpu.VMEM((_NAGG, B), jnp.int32)],
    )(a0, a1)



_CHUNK = 40


def _gather_body(table_hbm, idx_hbm, out_hbm, idx_v, buf0, buf1, sem0, sem1):
    rows_total = idx_hbm.shape[0]
    nw = 32
    per_w = rows_total // nw
    nchunk = per_w // _CHUNK
    wid = lax.axis_index("s") * 2 + lax.axis_index("c")
    base = wid * per_w
    pltpu.sync_copy(idx_hbm.at[pl.ds(base, per_w)], idx_v)
    bufs = (buf0, buf1)
    sems = (sem0, sem1)

    def start(c, slot):
        return pltpu.async_copy(
            table_hbm.at[idx_v.at[pl.ds(c * _CHUNK, _CHUNK)]], bufs[slot], sems[slot])

    cp = start(0, 0)
    for c in range(nchunk):
        nxt = start(c + 1, (c + 1) % 2) if c + 1 < nchunk else None
        cp.wait()
        pltpu.sync_copy(bufs[c % 2], out_hbm.at[pl.ds(base + c * _CHUNK, _CHUNK)])
        cp = nxt


def _gather_call(table, idx_flat):
    rows, d = idx_flat.shape[0], table.shape[1]
    mesh = plsc.VectorSubcoreMesh(core_axis_name="c", subcore_axis_name="s")
    k = functools.partial(
        pl.kernel,
        mesh=mesh,
        out_type=jax.ShapeDtypeStruct((rows, d), jnp.float32),
        scratch_types=[
            pltpu.VMEM((rows // 32,), jnp.int32),
            pltpu.VMEM((_CHUNK, d), jnp.float32),
            pltpu.VMEM((_CHUNK, d), jnp.float32),
            pltpu.SemaphoreType.DMA,
            pltpu.SemaphoreType.DMA,
        ],
    )(_gather_body)
    return k(table, idx_flat)



def _km_body(sel_ref, out_ref, *, L, D):
    BN = sel_ref.shape[0]
    B = BN // _NAGG
    NA, LD = _NAGG, L * D
    BK = B * _K
    x = sel_ref[...]
    x_hi = x.astype(jnp.bfloat16)
    x_lo = (x - x_hi.astype(jnp.float32)).astype(jnp.bfloat16)

    row_cl = lax.broadcasted_iota(jnp.int32, (BK, BN), 0)
    col_b = lax.broadcasted_iota(jnp.int32, (BK, BN), 1) // _NAGG
    penalty = jnp.where(row_cl // _K == col_b, 0.0, 1e9)

    def _dotT(a, b):
        return lax.dot_general(a, b, (((1,), (1,)), ((), ())),
                               preferred_element_type=jnp.float32)

    def labels_lbl(c):
        c2 = jnp.sum(c * c, axis=1, keepdims=True)
        c_hi = c.astype(jnp.bfloat16)
        c_lo = (c - c_hi.astype(jnp.float32)).astype(jnp.bfloat16)
        g = _dotT(c_hi, x_hi) + _dotT(c_hi, x_lo) + _dotT(c_lo, x_hi)
        d2 = c2 - 2.0 * g + penalty
        mn = jnp.min(d2, axis=0, keepdims=True)
        return jnp.min(jnp.where(d2 == mn, row_cl, BK), axis=0, keepdims=True)

    def labels_onehot(c):
        return (row_cl == labels_lbl(c)).astype(jnp.float32)

    def cond(carry):
        i, c, lbl_prev, changed = carry
        return jnp.logical_and(i < _ITERS, changed)

    def body(carry):
        i, c, lbl_prev, _ = carry
        lbl = labels_lbl(c)
        changed = jnp.any(lbl != lbl_prev)
        onehot = (row_cl == lbl).astype(jnp.float32)
        counts = jnp.sum(onehot, axis=1, keepdims=True)
        oh16 = onehot.astype(jnp.bfloat16)
        s = (lax.dot_general(oh16, x_hi, (((1,), (0,)), ((), ())),
                             preferred_element_type=jnp.float32)
             + lax.dot_general(oh16, x_lo, (((1,), (0,)), ((), ())),
                               preferred_element_type=jnp.float32))
        c = jnp.where(counts > 0.0, s / jnp.maximum(counts, 1.0), c)
        return (i + 1, c, lbl, changed)

    c0 = jnp.concatenate([x[b * NA:b * NA + _K, :] for b in range(B)], axis=0)
    lbl0 = jnp.full((1, BN), -1, dtype=jnp.int32)
    _, c, _, _ = lax.while_loop(cond, body, (0, c0, lbl0, True))

    onehot = labels_onehot(c)
    counts = jnp.sum(onehot, axis=1, keepdims=True)
    sum_x = x[:, 0:D]
    for l in range(1, L):
        sum_x = sum_x + x[:, l * D:(l + 1) * D]
    pooled = lax.dot_general(onehot, sum_x, (((1,), (0,)), ((), ())),
                             preferred_element_type=jnp.float32,
                             precision=lax.Precision.HIGHEST)
    centers = pooled / jnp.maximum(L * counts, 1.0)
    sel_b = (lax.broadcasted_iota(jnp.int32, (B, BK), 1) // _K
             == lax.broadcasted_iota(jnp.int32, (B, BK), 0)).astype(jnp.float32)
    ob = lax.dot_general(sel_b, centers, (((1,), (0,)), ((), ())),
                         preferred_element_type=jnp.float32,
                         precision=lax.Precision.HIGHEST) * (1.0 / _K)
    nrm = jnp.sqrt(jnp.sum(ob * ob, axis=1, keepdims=True))
    out_ref[...] = (ob / jnp.maximum(nrm, 1e-12))[None]


_KM_PROGS = 4


def _km_call(sel, L, D):
    BN, LD = sel.shape
    B = BN // _NAGG
    p = _KM_PROGS
    return pl.pallas_call(
        functools.partial(_km_body, L=L, D=D),
        grid=(p,),
        in_specs=[pl.BlockSpec((BN // p, LD), lambda i: (i, 0))],
        out_specs=pl.BlockSpec((1, B // p, D), lambda i: (i, 0, 0)),
        out_shape=jax.ShapeDtypeStruct((p, B // p, D), jnp.float32),
        compiler_params=pltpu.CompilerParams(
            vmem_limit_bytes=110 * 1024 * 1024),
    )(sel).reshape(B, D)



def kernel(patch_tokens, anomaly_maps):
    L, B, N, D = patch_tokens.shape
    a0 = anomaly_maps[..., 0]
    a1 = anomaly_maps[..., 1]
    idx_flat = _topk_call(a0, a1)
    table = patch_tokens.reshape(L * B * N, D)
    rows = _gather_call(table, idx_flat.reshape(B * _NAGG * L))
    sel = rows.reshape(B * _NAGG, L * D)
    return _km_call(sel, L, D)

# --- scband reference (transcript-rebuilt; emitter-appended) ---
"""Pipeline reference for scband-hybrid-semantic-fusion-19095424598634 (READ-ONLY COPY).

The authoritative reference and input builder live on the scoring server;
editing this copy changes nothing except your own understanding.
"""

import jax, jax.numpy as jnp
import numpy as np

K_CLUSTERS = 20
N_AGG = K_CLUSTERS * 5
KMEANS_ITERS = 10


def _kmeans_labels(data, k, iters=KMEANS_ITERS):
    # Deterministic Lloyd's algorithm standing in for sklearn KMeans.fit_predict
    centers = data[:k]
    for _ in range(iters):
        d2 = jnp.sum((data[:, None, :] - centers[None, :, :]) ** 2, axis=-1)
        labels = jnp.argmin(d2, axis=1)
        onehot = jax.nn.one_hot(labels, k, dtype=data.dtype)
        counts = onehot.sum(axis=0)
        sums = onehot.T @ data
        new_centers = sums / jnp.maximum(counts[:, None], 1.0)
        centers = jnp.where(counts[:, None] > 0, new_centers, centers)
    d2 = jnp.sum((data[:, None, :] - centers[None, :, :]) ** 2, axis=-1)
    return jnp.argmin(d2, axis=1)


def setup_inputs(seed: int = 0) -> dict:
    key = jax.random.key(seed)
    k1, k2 = jax.random.split(key)
    # list-of-tensors inputs are stacked on a leading layer axis (4 layers)
    patch_tokens = jax.random.normal(k1, (4, 16, 1024, 768), dtype=jnp.float32)
    anomaly_maps = jax.random.normal(k2, (4, 16, 1024, 2), dtype=jnp.float32)
    return {"patch_tokens": patch_tokens, "anomaly_maps": anomaly_maps}


def reference(patch_tokens, anomaly_maps):
    L, B, N, D = patch_tokens.shape
    # mean over the list of anomaly maps, softmax over class dim, take abnormal prob
    am = jnp.mean(anomaly_maps, axis=0)              # [B, N, 2]
    am = jax.nn.softmax(am, axis=2)[:, :, 1]         # [B, N]
    k = min(N, N_AGG)
    _, idx = jax.lax.top_k(am, k)                    # [B, k]
    selected = [jnp.take_along_axis(patch_tokens[l], idx[:, :, None], axis=1) for l in range(L)]  # L x [B, k, D]
    stacked = jnp.concatenate(selected, axis=2)      # [B, k, L*D]
    outs = []
    for b in range(B):
        labels = jax.lax.stop_gradient(_kmeans_labels(jax.lax.stop_gradient(stacked[b]), K_CLUSTERS))  # [k]
        collected = jnp.concatenate([s[b] for s in selected], axis=0)  # [L*k, D]
        labels_rep = jnp.tile(labels, L)                               # [L*k]
        onehot = jax.nn.one_hot(labels_rep, K_CLUSTERS, dtype=collected.dtype)  # [L*k, K]
        counts = onehot.sum(axis=0)                                    # [K]
        centers = (onehot.T @ collected) / jnp.maximum(counts[:, None], 1.0)    # [K, D]
        outs.append(jnp.mean(centers, axis=0))
    out = jnp.stack(outs, axis=0)                    # [B, D]
    norm = jnp.linalg.norm(out, axis=1, keepdims=True)
    return out / jnp.maximum(norm, 1e-12)

if __name__ == "__main__":
    import jax
    _d = setup_inputs()
    print(jax.jit(kernel)(*tuple(_d.values())))

</pallas_src>

<mosaic_0001>
#map = affine_map<(d0, d1) -> (0, 0)>
#map1 = affine_map<(d0, d1) -> (0)>
module attributes {stable_mosaic.version = 14 : i64} {
  func.func @_gather_body(%arg0: i32, %arg1: i32, %arg2: memref<65536x768xf32, #tpu.memory_space<hbm>>, %arg3: memref<6400xi32, #tpu.memory_space<hbm>>, %arg4: memref<6400x768xf32, #tpu.memory_space<hbm>>, %arg5: memref<200xi32, #tpu.memory_space<vmem>>, %arg6: memref<40x768xf32, #tpu.memory_space<vmem>>, %arg7: memref<40x768xf32, #tpu.memory_space<vmem>>, %arg8: memref<!tpu.dma_semaphore, #tpu.memory_space<semaphore_mem>>, %arg9: memref<!tpu.dma_semaphore, #tpu.memory_space<semaphore_mem>>) attributes {dimension_semantics = [#tpu.dimension_semantics<core_parallel>, #tpu.dimension_semantics<subcore_parallel>], iteration_bounds = array<i64: 2, 16>, scalar_prefetch = 0 : i64, scratch_operands = 5 : i64, tpu.core_type = #tpu.core_type<sc_vector_subcore>, window_params = [{transform_indices = #map}, {transform_indices = #map1}, {transform_indices = #map}]} {
    %mul3A = arith.constant 2 : i32
    %mul3A_0 = arith.muli %arg1, %mul3A : i32
    %add3A = arith.addi %mul3A_0, %arg0 : i32
    %mul3A_1 = arith.constant 200 : i32
    %mul3A_2 = arith.muli %add3A, %mul3A_1 : i32
    "tpu.region"() ({
      %run_scoped3A = tpu.sem_alloc : memref<!tpu.dma_semaphore, #tpu.memory_space<semaphore_mem>>
      %dma_start3A_61 = tpu.memref_slice %arg3[%mul3A_2] : memref<6400xi32, #tpu.memory_space<hbm>> -> memref<200xi32, #tpu.memory_space<hbm>>
      %dma_start3A_62 = tpu.memref_slice %arg3[%mul3A_2] : memref<6400xi32, #tpu.memory_space<hbm>> -> memref<200xi32, #tpu.memory_space<hbm>>
      tpu.enqueue_dma source(%dma_start3A_62 : memref<200xi32, #tpu.memory_space<hbm>>) target(%arg5 : memref<200xi32, #tpu.memory_space<vmem>>) target_semaphore(%run_scoped3A : memref<!tpu.dma_semaphore, #tpu.memory_space<semaphore_mem>>)
      %dma_wait3A_63 = tpu.memref_slice %arg3[%mul3A_2] : memref<6400xi32, #tpu.memory_space<hbm>> -> memref<200xi32, #tpu.memory_space<hbm>>
      %dma_wait3A_64 = tpu.memref_slice %arg3[%mul3A_2] : memref<6400xi32, #tpu.memory_space<hbm>> -> memref<200xi32, #tpu.memory_space<hbm>>
      tpu.wait_dma2 semaphore(%run_scoped3A : memref<!tpu.dma_semaphore, #tpu.memory_space<semaphore_mem>>) src(%dma_wait3A_64 : memref<200xi32, #tpu.memory_space<hbm>>) dst(%arg5 : memref<200xi32, #tpu.memory_space<vmem>>)
      tpu.yield
    }) : () -> ()
    %dma_start3A = arith.constant 0 : i32
    %dma_start3A_3 = tpu.memref_slice %arg5[%dma_start3A] : memref<200xi32, #tpu.memory_space<vmem>> -> memref<40xi32, #tpu.memory_space<vmem>>
    %dma_start3A_4 = arith.constant 0 : i32
    %dma_start3A_5 = arith.constant 0 : i32
    %dma_start3A_6 = tpu.memref_slice %arg2[%dma_start3A_4, %dma_start3A_5] : memref<65536x768xf32, #tpu.memory_space<hbm>> -> memref<65536x768xf32, #tpu.memory_space<hbm>>
    tpu.enqueue_indirect_dma source(%dma_start3A_6 : memref<65536x768xf32, #tpu.memory_space<hbm>>) target(%arg6 : memref<40x768xf32, #tpu.memory_space<vmem>>) offsets(%dma_start3A_3 : memref<40xi32, #tpu.memory_space<vmem>>) semaphore(%arg8 : memref<!tpu.dma_semaphore, #tpu.memory_space<semaphore_mem>>)
    %dma_start3A_7 = arith.constant 40 : i32
    %dma_start3A_8 = tpu.memref_slice %arg5[%dma_start3A_7] : memref<200xi32, #tpu.memory_space<vmem>> -> memref<40xi32, #tpu.memory_space<vmem>>
    %dma_start3A_9 = arith.constant 0 : i32
    %dma_start3A_10 = arith.constant 0 : i32
    %dma_start3A_11 = tpu.memref_slice %arg2[%dma_start3A_9, %dma_start3A_10] : memref<65536x768xf32, #tpu.memory_space<hbm>> -> memref<65536x768xf32, #tpu.memory_space<hbm>>
    tpu.enqueue_indirect_dma source(%dma_start3A_11 : memref<65536x768xf32, #tpu.memory_space<hbm>>) target(%arg7 : memref<40x768xf32, #tpu.memory_space<vmem>>) offsets(%dma_start3A_8 : memref<40xi32, #tpu.memory_space<vmem>>) semaphore(%arg9 : memref<!tpu.dma_semaphore, #tpu.memory_space<semaphore_mem>>)
    %dma_wait3A = arith.constant 0 : i32
    %dma_wait3A_12 = tpu.memref_slice %arg5[%dma_wait3A] : memref<200xi32, #tpu.memory_space<vmem>> -> memref<40xi32, #tpu.memory_space<vmem>>
    %dma_wait3A_13 = arith.constant 0 : i32
    %dma_wait3A_14 = arith.constant 0 : i32
    %dma_wait3A_15 = tpu.memref_slice %arg2[%dma_wait3A_13, %dma_wait3A_14] : memref<65536x768xf32, #tpu.memory_space<hbm>> -> memref<65536x768xf32, #tpu.memory_space<hbm>>
    tpu.wait_indirect_dma semaphore(%arg8 : memref<!tpu.dma_semaphore, #tpu.memory_space<semaphore_mem>>) src(%dma_wait3A_15 : memref<65536x768xf32, #tpu.memory_space<hbm>>) dst(%arg6 : memref<40x768xf32, #tpu.memory_space<vmem>>)
    %add3A_16 = arith.constant 0 : i32
    %add3A_17 = arith.addi %mul3A_2, %add3A_16 : i32
    "tpu.region"() ({
      %run_scoped3A = tpu.sem_alloc : memref<!tpu.dma_semaphore, #tpu.memory_space<semaphore_mem>>
      %dma_start3A_61 = arith.constant 0 : i32
      %dma_start3A_62 = tpu.memref_slice %arg4[%add3A_17, %dma_start3A_61] : memref<6400x768xf32, #tpu.memory_space<hbm>> -> memref<40x768xf32, #tpu.memory_space<hbm>>
      %dma_start3A_63 = arith.constant 0 : i32
      %dma_start3A_64 = tpu.memref_slice %arg4[%add3A_17, %dma_start3A_63] : memref<6400x768xf32, #tpu.memory_space<hbm>> -> memref<40x768xf32, #tpu.memory_space<hbm>>
      tpu.enqueue_dma source(%arg6 : memref<40x768xf32, #tpu.memory_space<vmem>>) target(%dma_start3A_64 : memref<40x768xf32, #tpu.memory_space<hbm>>) target_semaphore(%run_scoped3A : memref<!tpu.dma_semaphore, #tpu.memory_space<semaphore_mem>>)
      %dma_wait3A_65 = arith.constant 0 : i32
      %dma_wait3A_66 = tpu.memref_slice %arg4[%add3A_17, %dma_wait3A_65] : memref<6400x768xf32, #tpu.memory_space<hbm>> -> memref<40x768xf32, #tpu.memory_space<hbm>>
      %dma_wait3A_67 = arith.constant 0 : i32
      %dma_wait3A_68 = tpu.memref_slice %arg4[%add3A_17, %dma_wait3A_67] : memref<6400x768xf32, #tpu.memory_space<hbm>> -> memref<40x768xf32, #tpu.memory_space<hbm>>
      tpu.wait_dma2 semaphore(%run_scoped3A : memref<!tpu.dma_semaphore, #tpu.memory_space<semaphore_mem>>) src(%arg6 : memref<40x768xf32, #tpu.memory_space<vmem>>) dst(%dma_wait3A_68 : memref<40x768xf32, #tpu.memory_space<hbm>>)
      tpu.yield
    }) : () -> ()
    %dma_start3A_18 = arith.constant 80 : i32
    %dma_start3A_19 = tpu.memref_slice %arg5[%dma_start3A_18] : memref<200xi32, #tpu.memory_space<vmem>> -> memref<40xi32, #tpu.memory_space<vmem>>
    %dma_start3A_20 = arith.constant 0 : i32
    %dma_start3A_21 = arith.constant 0 : i32
    %dma_start3A_22 = tpu.memref_slice %arg2[%dma_start3A_20, %dma_start3A_21] : memref<65536x768xf32, #tpu.memory_space<hbm>> -> memref<65536x768xf32, #tpu.memory_space<hbm>>
    tpu.enqueue_indirect_dma source(%dma_start3A_22 : memref<65536x768xf32, #tpu.memory_space<hbm>>) target(%arg6 : memref<40x768xf32, #tpu.memory_space<vmem>>) offsets(%dma_start3A_19 : memref<40xi32, #tpu.memory_space<vmem>>) semaphore(%arg8 : memref<!tpu.dma_semaphore, #tpu.memory_space<semaphore_mem>>)
    %dma_wait3A_23 = arith.constant 40 : i32
    %dma_wait3A_24 = tpu.memref_slice %arg5[%dma_wait3A_23] : memref<200xi32, #tpu.memory_space<vmem>> -> memref<40xi32, #tpu.memory_space<vmem>>
    %dma_wait3A_25 = arith.constant 0 : i32
    %dma_wait3A_26 = arith.constant 0 : i32
    %dma_wait3A_27 = tpu.memref_slice %arg2[%dma_wait3A_25, %dma_wait3A_26] : memref<65536x768xf32, #tpu.memory_space<hbm>> -> memref<65536x768xf32, #tpu.memory_space<hbm>>
    tpu.wait_indirect_dma semaphore(%arg9 : memref<!tpu.dma_semaphore, #tpu.memory_space<semaphore_mem>>) src(%dma_wait3A_27 : memref<65536x768xf32, #tpu.memory_space<hbm>>) dst(%arg7 : memref<40x768xf32, #tpu.memory_space<vmem>>)
    %add3A_28 = arith.constant 40 : i32
    %add3A_29 = arith.addi %mul3A_2, %add3A_28 : i32
    "tpu.region"() ({
      %run_scoped3A = tpu.sem_alloc : memref<!tpu.dma_semaphore, #tpu.memory_space<semaphore_mem>>
      %dma_start3A_61 = arith.constant 0 : i32
      %dma_start3A_62 = tpu.memref_slice %arg4[%add3A_29, %dma_start3A_61] : memref<6400x768xf32, #tpu.memory_space<hbm>> -> memref<40x768xf32, #tpu.memory_space<hbm>>
      %dma_start3A_63 = arith.constant 0 : i32
      %dma_start3A_64 = tpu.memref_slice %arg4[%add3A_29, %dma_start3A_63] : memref<6400x768xf32, #tpu.memory_space<hbm>> -> memref<40x768xf32, #tpu.memory_space<hbm>>
      tpu.enqueue_dma source(%arg7 : memref<40x768xf32, #tpu.memory_space<vmem>>) target(%dma_start3A_64 : memref<40x768xf32, #tpu.memory_space<hbm>>) target_semaphore(%run_scoped3A : memref<!tpu.dma_semaphore, #tpu.memory_space<semaphore_mem>>)
      %dma_wait3A_65 = arith.constant 0 : i32
      %dma_wait3A_66 = tpu.memref_slice %arg4[%add3A_29, %dma_wait3A_65] : memref<6400x768xf32, #tpu.memory_space<hbm>> -> memref<40x768xf32, #tpu.memory_space<hbm>>
      %dma_wait3A_67 = arith.constant 0 : i32
      %dma_wait3A_68 = tpu.memref_slice %arg4[%add3A_29, %dma_wait3A_67] : memref<6400x768xf32, #tpu.memory_space<hbm>> -> memref<40x768xf32, #tpu.memory_space<hbm>>
      tpu.wait_dma2 semaphore(%run_scoped3A : memref<!tpu.dma_semaphore, #tpu.memory_space<semaphore_mem>>) src(%arg7 : memref<40x768xf32, #tpu.memory_space<vmem>>) dst(%dma_wait3A_68 : memref<40x768xf32, #tpu.memory_space<hbm>>)
      tpu.yield
    }) : () -> ()
    %dma_start3A_30 = arith.constant 120 : i32
    %dma_start3A_31 = tpu.memref_slice %arg5[%dma_start3A_30] : memref<200xi32, #tpu.memory_space<vmem>> -> memref<40xi32, #tpu.memory_space<vmem>>
    %dma_start3A_32 = arith.constant 0 : i32
    %dma_start3A_33 = arith.constant 0 : i32
    %dma_start3A_34 = tpu.memref_slice %arg2[%dma_start3A_32, %dma_start3A_33] : memref<65536x768xf32, #tpu.memory_space<hbm>> -> memref<65536x768xf32, #tpu.memory_space<hbm>>
    tpu.enqueue_indirect_dma source(%dma_start3A_34 : memref<65536x768xf32, #tpu.memory_space<hbm>>) target(%arg7 : memref<40x768xf32, #tpu.memory_space<vmem>>) offsets(%dma_start3A_31 : memref<40xi32, #tpu.memory_space<vmem>>) semaphore(%arg9 : memref<!tpu.dma_semaphore, #tpu.memory_space<semaphore_mem>>)
    %dma_wait3A_35 = arith.constant 80 : i32
    %dma_wait3A_36 = tpu.memref_slice %arg5[%dma_wait3A_35] : memref<200xi32, #tpu.memory_space<vmem>> -> memref<40xi32, #tpu.memory_space<vmem>>
    %dma_wait3A_37 = arith.constant 0 : i32
    %dma_wait3A_38 = arith.constant 0 : i32
    %dma_wait3A_39 = tpu.memref_slice %arg2[%dma_wait3A_37, %dma_wait3A_38] : memref<65536x768xf32, #tpu.memory_space<hbm>> -> memref<65536x768xf32, #tpu.memory_space<hbm>>
    tpu.wait_indirect_dma semaphore(%arg8 : memref<!tpu.dma_semaphore, #tpu.memory_space<semaphore_mem>>) src(%dma_wait3A_39 : memref<65536x768xf32, #tpu.memory_space<hbm>>) dst(%arg6 : memref<40x768xf32, #tpu.memory_space<vmem>>)
    %add3A_40 = arith.constant 80 : i32
    %add3A_41 = arith.addi %mul3A_2, %add3A_40 : i32
    "tpu.region"() ({
      %run_scoped3A = tpu.sem_alloc : memref<!tpu.dma_semaphore, #tpu.memory_space<semaphore_mem>>
      %dma_start3A_61 = arith.constant 0 : i32
      %dma_start3A_62 = tpu.memref_slice %arg4[%add3A_41, %dma_start3A_61] : memref<6400x768xf32, #tpu.memory_space<hbm>> -> memref<40x768xf32, #tpu.memory_space<hbm>>
      %dma_start3A_63 = arith.constant 0 : i32
      %dma_start3A_64 = tpu.memref_slice %arg4[%add3A_41, %dma_start3A_63] : memref<6400x768xf32, #tpu.memory_space<hbm>> -> memref<40x768xf32, #tpu.memory_space<hbm>>
      tpu.enqueue_dma source(%arg6 : memref<40x768xf32, #tpu.memory_space<vmem>>) target(%dma_start3A_64 : memref<40x768xf32, #tpu.memory_space<hbm>>) target_semaphore(%run_scoped3A : memref<!tpu.dma_semaphore, #tpu.memory_space<semaphore_mem>>)
      %dma_wait3A_65 = arith.constant 0 : i32
      %dma_wait3A_66 = tpu.memref_slice %arg4[%add3A_41, %dma_wait3A_65] : memref<6400x768xf32, #tpu.memory_space<hbm>> -> memref<40x768xf32, #tpu.memory_space<hbm>>
      %dma_wait3A_67 = arith.constant 0 : i32
      %dma_wait3A_68 = tpu.memref_slice %arg4[%add3A_41, %dma_wait3A_67] : memref<6400x768xf32, #tpu.memory_space<hbm>> -> memref<40x768xf32, #tpu.memory_space<hbm>>
      tpu.wait_dma2 semaphore(%run_scoped3A : memref<!tpu.dma_semaphore, #tpu.memory_space<semaphore_mem>>) src(%arg6 : memref<40x768xf32, #tpu.memory_space<vmem>>) dst(%dma_wait3A_68 : memref<40x768xf32, #tpu.memory_space<hbm>>)
      tpu.yield
    }) : () -> ()
    %dma_start3A_42 = arith.constant 160 : i32
    %dma_start3A_43 = tpu.memref_slice %arg5[%dma_start3A_42] : memref<200xi32, #tpu.memory_space<vmem>> -> memref<40xi32, #tpu.memory_space<vmem>>
    %dma_start3A_44 = arith.constant 0 : i32
    %dma_start3A_45 = arith.constant 0 : i32
    %dma_start3A_46 = tpu.memref_slice %arg2[%dma_start3A_44, %dma_start3A_45] : memref<65536x768xf32, #tpu.memory_space<hbm>> -> memref<65536x768xf32, #tpu.memory_space<hbm>>
    tpu.enqueue_indirect_dma source(%dma_start3A_46 : memref<65536x768xf32, #tpu.memory_space<hbm>>) target(%arg6 : memref<40x768xf32, #tpu.memory_space<vmem>>) offsets(%dma_start3A_43 : memref<40xi32, #tpu.memory_space<vmem>>) semaphore(%arg8 : memref<!tpu.dma_semaphore, #tpu.memory_space<semaphore_mem>>)
    %dma_wait3A_47 = arith.constant 120 : i32
    %dma_wait3A_48 = tpu.memref_slice %arg5[%dma_wait3A_47] : memref<200xi32, #tpu.memory_space<vmem>> -> memref<40xi32, #tpu.memory_space<vmem>>
    %dma_wait3A_49 = arith.constant 0 : i32
    %dma_wait3A_50 = arith.constant 0 : i32
    %dma_wait3A_51 = tpu.memref_slice %arg2[%dma_wait3A_49, %dma_wait3A_50] : memref<65536x768xf32, #tpu.memory_space<hbm>> -> memref<65536x768xf32, #tpu.memory_space<hbm>>
    tpu.wait_indirect_dma semaphore(%arg9 : memref<!tpu.dma_semaphore, #tpu.memory_space<semaphore_mem>>) src(%dma_wait3A_51 : memref<65536x768xf32, #tpu.memory_space<hbm>>) dst(%arg7 : memref<40x768xf32, #tpu.memory_space<vmem>>)
    %add3A_52 = arith.constant 120 : i32
    %add3A_53 = arith.addi %mul3A_2, %add3A_52 : i32
    "tpu.region"() ({
      %run_scoped3A = tpu.sem_alloc : memref<!tpu.dma_semaphore, #tpu.memory_space<semaphore_mem>>
      %dma_start3A_61 = arith.constant 0 : i32
      %dma_start3A_62 = tpu.memref_slice %arg4[%add3A_53, %dma_start3A_61] : memref<6400x768xf32, #tpu.memory_space<hbm>> -> memref<40x768xf32, #tpu.memory_space<hbm>>
      %dma_start3A_63 = arith.constant 0 : i32
      %dma_start3A_64 = tpu.memref_slice %arg4[%add3A_53, %dma_start3A_63] : memref<6400x768xf32, #tpu.memory_space<hbm>> -> memref<40x768xf32, #tpu.memory_space<hbm>>
      tpu.enqueue_dma source(%arg7 : memref<40x768xf32, #tpu.memory_space<vmem>>) target(%dma_start3A_64 : memref<40x768xf32, #tpu.memory_space<hbm>>) target_semaphore(%run_scoped3A : memref<!tpu.dma_semaphore, #tpu.memory_space<semaphore_mem>>)
      %dma_wait3A_65 = arith.constant 0 : i32
      %dma_wait3A_66 = tpu.memref_slice %arg4[%add3A_53, %dma_wait3A_65] : memref<6400x768xf32, #tpu.memory_space<hbm>> -> memref<40x768xf32, #tpu.memory_space<hbm>>
      %dma_wait3A_67 = arith.constant 0 : i32
      %dma_wait3A_68 = tpu.memref_slice %arg4[%add3A_53, %dma_wait3A_67] : memref<6400x768xf32, #tpu.memory_space<hbm>> -> memref<40x768xf32, #tpu.memory_space<hbm>>
      tpu.wait_dma2 semaphore(%run_scoped3A : memref<!tpu.dma_semaphore, #tpu.memory_space<semaphore_mem>>) src(%arg7 : memref<40x768xf32, #tpu.memory_space<vmem>>) dst(%dma_wait3A_68 : memref<40x768xf32, #tpu.memory_space<hbm>>)
      tpu.yield
    }) : () -> ()
    %dma_wait3A_54 = arith.constant 160 : i32
    %dma_wait3A_55 = tpu.memref_slice %arg5[%dma_wait3A_54] : memref<200xi32, #tpu.memory_space<vmem>> -> memref<40xi32, #tpu.memory_space<vmem>>
    %dma_wait3A_56 = arith.constant 0 : i32
    %dma_wait3A_57 = arith.constant 0 : i32
    %dma_wait3A_58 = tpu.memref_slice %arg2[%dma_wait3A_56, %dma_wait3A_57] : memref<65536x768xf32, #tpu.memory_space<hbm>> -> memref<65536x768xf32, #tpu.memory_space<hbm>>
    tpu.wait_indirect_dma semaphore(%arg8 : memref<!tpu.dma_semaphore, #tpu.memory_space<semaphore_mem>>) src(%dma_wait3A_58 : memref<65536x768xf32, #tpu.memory_space<hbm>>) dst(%arg6 : memref<40x768xf32, #tpu.memory_space<vmem>>)
    %add3A_59 = arith.constant 160 : i32
    %add3A_60 = arith.addi %mul3A_2, %add3A_59 : i32
    "tpu.region"() ({
      %run_scoped3A = tpu.sem_alloc : memref<!tpu.dma_semaphore, #tpu.memory_space<semaphore_mem>>
      %dma_start3A_61 = arith.constant 0 : i32
      %dma_start3A_62 = tpu.memref_slice %arg4[%add3A_60, %dma_start3A_61] : memref<6400x768xf32, #tpu.memory_space<hbm>> -> memref<40x768xf32, #tpu.memory_space<hbm>>
      %dma_start3A_63 = arith.constant 0 : i32
      %dma_start3A_64 = tpu.memref_slice %arg4[%add3A_60, %dma_start3A_63] : memref<6400x768xf32, #tpu.memory_space<hbm>> -> memref<40x768xf32, #tpu.memory_space<hbm>>
      tpu.enqueue_dma source(%arg6 : memref<40x768xf32, #tpu.memory_space<vmem>>) target(%dma_start3A_64 : memref<40x768xf32, #tpu.memory_space<hbm>>) target_semaphore(%run_scoped3A : memref<!tpu.dma_semaphore, #tpu.memory_space<semaphore_mem>>)
      %dma_wait3A_65 = arith.constant 0 : i32
      %dma_wait3A_66 = tpu.memref_slice %arg4[%add3A_60, %dma_wait3A_65] : memref<6400x768xf32, #tpu.memory_space<hbm>> -> memref<40x768xf32, #tpu.memory_space<hbm>>
      %dma_wait3A_67 = arith.constant 0 : i32
      %dma_wait3A_68 = tpu.memref_slice %arg4[%add3A_60, %dma_wait3A_67] : memref<6400x768xf32, #tpu.memory_space<hbm>> -> memref<40x768xf32, #tpu.memory_space<hbm>>
      tpu.wait_dma2 semaphore(%run_scoped3A : memref<!tpu.dma_semaphore, #tpu.memory_space<semaphore_mem>>) src(%arg6 : memref<40x768xf32, #tpu.memory_space<vmem>>) dst(%dma_wait3A_68 : memref<40x768xf32, #tpu.memory_space<hbm>>)
      tpu.yield
    }) : () -> ()
    return
  }
}

module attributes {stable_mosaic.version = 14 : i64} {
  func.func @_topk_body(%arg0: memref<4x16x1024xf32, #tpu.memory_space<vmem>>, %arg1: memref<4x16x1024xf32, #tpu.memory_space<vmem>>, %arg2: memref<16x100x4xi32, #tpu.memory_space<vmem>>, %arg3: memref<100x16xi32, #tpu.memory_space<vmem>>) attributes {dimension_semantics = [], scalar_prefetch = 0 : i64, scratch_operands = 1 : i64, tpu.core_type = #tpu.core_type<tc>} {
    %get3A = arith.constant 0 : index
    %get3A_0 = arith.constant 0 : index
    %get3A_1 = arith.constant 0 : index
    %get3A_2 = vector.load %arg0[%get3A, %get3A_0, %get3A_1] : memref<4x16x1024xf32, #tpu.memory_space<vmem>>, vector<1x16x1024xf32>
    %get3A_3 = vector.shape_cast %get3A_2 : vector<1x16x1024xf32> to vector<16x1024xf32>
    %get3A_4 = arith.constant 0 : index
    %get3A_5 = arith.constant 0 : index
    %get3A_6 = arith.constant 0 : index
    %get3A_7 = vector.load %arg1[%get3A_4, %get3A_5, %get3A_6] : memref<4x16x1024xf32, #tpu.memory_space<vmem>>, vector<1x16x1024xf32>
    %get3A_8 = vector.shape_cast %get3A_7 : vector<1x16x1024xf32> to vector<16x1024xf32>
    %get3A_9 = arith.constant 1 : index
    %get3A_10 = arith.constant 0 : index
    %get3A_11 = arith.constant 0 : index
    %get3A_12 = vector.load %arg0[%get3A_9, %get3A_10, %get3A_11] : memref<4x16x1024xf32, #tpu.memory_space<vmem>>, vector<1x16x1024xf32>
    %get3A_13 = vector.shape_cast %get3A_12 : vector<1x16x1024xf32> to vector<16x1024xf32>
    %add3A = arith.addf %get3A_3, %get3A_13 : vector<16x1024xf32>
    %get3A_14 = arith.constant 1 : index
    %get3A_15 = arith.constant 0 : index
    %get3A_16 = arith.constant 0 : index
    %get3A_17 = vector.load %arg1[%get3A_14, %get3A_15, %get3A_16] : memref<4x16x1024xf32, #tpu.memory_space<vmem>>, vector<1x16x1024xf32>
    %get3A_18 = vector.shape_cast %get3A_17 : vector<1x16x1024xf32> to vector<16x1024xf32>
    %add3A_19 = arith.addf %get3A_8, %get3A_18 : vector<16x1024xf32>
    %get3A_20 = arith.constant 2 : index
    %get3A_21 = arith.constant 0 : index
    %get3A_22 = arith.constant 0 : index
    %get3A_23 = vector.load %arg0[%get3A_20, %get3A_21, %get3A_22] : memref<4x16x1024xf32, #tpu.memory_space<vmem>>, vector<1x16x1024xf32>
    %get3A_24 = vector.shape_cast %get3A_23 : vector<1x16x1024xf32> to vector<16x1024xf32>
    %add3A_25 = arith.addf %add3A, %get3A_24 : vector<16x1024xf32>
    %get3A_26 = arith.constant 2 : index
    %get3A_27 = arith.constant 0 : index
    %get3A_28 = arith.constant 0 : index
    %get3A_29 = vector.load %arg1[%get3A_26, %get3A_27, %get3A_28] : memref<4x16x1024xf32, #tpu.memory_space<vmem>>, vector<1x16x1024xf32>
    %get3A_30 = vector.shape_cast %get3A_29 : vector<1x16x1024xf32> to vector<16x1024xf32>
    %add3A_31 = arith.addf %add3A_19, %get3A_30 : vector<16x1024xf32>
    %get3A_32 = arith.constant 3 : index
    %get3A_33 = arith.constant 0 : index
    %get3A_34 = arith.constant 0 : index
    %get3A_35 = vector.load %arg0[%get3A_32, %get3A_33, %get3A_34] : memref<4x16x1024xf32, #tpu.memory_space<vmem>>, vector<1x16x1024xf32>
    %get3A_36 = vector.shape_cast %get3A_35 : vector<1x16x1024xf32> to vector<16x1024xf32>
    %add3A_37 = arith.addf %add3A_25, %get3A_36 : vector<16x1024xf32>
    %get3A_38 = arith.constant 3 : index
    %get3A_39 = arith.constant 0 : index
    %get3A_40 = arith.constant 0 : index
    %get3A_41 = vector.load %arg1[%get3A_38, %get3A_39, %get3A_40] : memref<4x16x1024xf32, #tpu.memory_space<vmem>>, vector<1x16x1024xf32>
    %get3A_42 = vector.shape_cast %get3A_41 : vector<1x16x1024xf32> to vector<16x1024xf32>
    %add3A_43 = arith.addf %add3A_31, %get3A_42 : vector<16x1024xf32>
    %mul3A = arith.constant 2.500000e-01 : f32
    %mul3A_44 = vector.broadcast %mul3A : f32 to vector<16x1024xf32>
    %mul3A_45 = arith.mulf %add3A_37, %mul3A_44 : vector<16x1024xf32>
    %mul3A_46 = arith.constant 2.500000e-01 : f32
    %mul3A_47 = vector.broadcast %mul3A_46 : f32 to vector<16x1024xf32>
    %mul3A_48 = arith.mulf %add3A_43, %mul3A_47 : vector<16x1024xf32>
    %max3A = arith.maximumf %mul3A_45, %mul3A_48 : vector<16x1024xf32>
    %sub3A = arith.subf %mul3A_45, %max3A : vector<16x1024xf32>
    %exp3A = math.exp %sub3A : vector<16x1024xf32>
    %sub3A_49 = arith.subf %mul3A_48, %max3A : vector<16x1024xf32>
    %exp3A_50 = math.exp %sub3A_49 : vector<16x1024xf32>
    %add3A_51 = arith.addf %exp3A, %exp3A_50 : vector<16x1024xf32>
    %div3A = arith.divf %exp3A_50, %add3A_51 : vector<16x1024xf32>
    %iota3A = tpu.iota {dimensions = array<i32: 1>} : vector<16x1024xi32>
    %scan3A = arith.constant 0 : i32
    %scan3A_52 = arith.constant 100 : i32
    %scan3A_53 = arith.addi %scan3A, %scan3A_52 : i32
    %scan3A_54 = arith.constant 1 : i32
    %scan3A_55 = scf.for %scan3A_74 = %scan3A to %scan3A_53 step %scan3A_54 iter_args(%scan3A_75 = %div3A) -> (vector<16x1024xf32>)  : i32 {
      %reduce_max3A = arith.constant dense<0xFF800000> : vector<16xf32>
      %reduce_max3A_76 = vector.multi_reduction <maximumf>, %scan3A_75, %reduce_max3A [1] : vector<16x1024xf32> to vector<16xf32>
      %broadcast_in_dim3A_77 = vector.shape_cast %reduce_max3A_76 : vector<16xf32> to vector<16x1xf32>
      %eq3A = vector.broadcast %broadcast_in_dim3A_77 : vector<16x1xf32> to vector<16x1024xf32>
      %eq3A_78 = arith.cmpf oeq, %scan3A_75, %eq3A : vector<16x1024xf32>
      %jit3A = arith.constant 1024 : i32
      %broadcast_in_dim3A_79 = vector.broadcast %jit3A : i32 to vector<16x1024xi32>
      %select_n3A = arith.select %eq3A_78, %iota3A, %broadcast_in_dim3A_79 : vector<16x1024xi1>, vector<16x1024xi32>
      %reduce_min3A = arith.constant dense<2147483647> : vector<16xi32>
      %reduce_min3A_80 = vector.multi_reduction <minsi>, %select_n3A, %reduce_min3A [1] : vector<16x1024xi32> to vector<16xi32>
      %broadcast_in_dim3A_81 = vector.shape_cast %reduce_min3A_80 : vector<16xi32> to vector<16x1xi32>
      %transpose3A_82 = tpu.transpose %broadcast_in_dim3A_81, [1, 0] : vector<16x1xi32> -> vector<1x16xi32>
      %swap3A_83 = arith.index_cast %scan3A_74 : i32 to index
      %swap3A_84 = arith.constant 0 : index
      %swap3A_85 = vector.load %arg3[%swap3A_83, %swap3A_84] : memref<100x16xi32, #tpu.memory_space<vmem>>, vector<1x16xi32>
      tpu.vector_store %arg3[%swap3A_83, %swap3A_84], %transpose3A_82 {strides = array<i32>} : memref<100x16xi32, #tpu.memory_space<vmem>>, vector<1x16xi32>,
      %eq3A_86 = vector.broadcast %broadcast_in_dim3A_81 : vector<16x1xi32> to vector<16x1024xi32>
      %eq3A_87 = arith.cmpi eq, %iota3A, %eq3A_86 : vector<16x1024xi32>
      %jit3A_88 = arith.constant -1.000000e+00 : f32
      %broadcast_in_dim3A_89 = vector.broadcast %jit3A_88 : f32 to vector<16x1024xf32>
      %select_n3A_90 = arith.select %eq3A_87, %broadcast_in_dim3A_89, %scan3A_75 : vector<16x1024xi1>, vector<16x1024xf32>
      scf.yield %select_n3A_90 : vector<16x1024xf32>
    }
    %scan3A_56 = arith.constant 100 : i32
    %get3A_57 = arith.constant 0 : index
    %get3A_58 = arith.constant 0 : index
    %get3A_59 = vector.load %arg3[%get3A_57, %get3A_58] : memref<100x16xi32, #tpu.memory_space<vmem>>, vector<100x16xi32>
    %transpose3A = tpu.transpose %get3A_59, [1, 0] : vector<100x16xi32> -> vector<16x100xi32>
    %iota3A_60 = tpu.iota {dimensions = array<i32: 2>} : vector<16x100x4xi32>
    %iota3A_61 = tpu.iota {dimensions = array<i32: 0>} : vector<16x100x4xi32>
    %mul3A_62 = arith.constant 16384 : i32
    %mul3A_63 = vector.broadcast %mul3A_62 : i32 to vector<16x100x4xi32>
    %mul3A_64 = arith.muli %iota3A_60, %mul3A_63 : vector<16x100x4xi32>
    %mul3A_65 = arith.constant 1024 : i32
    %mul3A_66 = vector.broadcast %mul3A_65 : i32 to vector<16x100x4xi32>
    %mul3A_67 = arith.muli %iota3A_61, %mul3A_66 : vector<16x100x4xi32>
    %add3A_68 = arith.addi %mul3A_64, %mul3A_67 : vector<16x100x4xi32>
    %broadcast_in_dim3A = vector.shape_cast %transpose3A : vector<16x100xi32> to vector<16x100x1xi32>
    %add3A_69 = vector.broadcast %broadcast_in_dim3A : vector<16x100x1xi32> to vector<16x100x4xi32>
    %add3A_70 = arith.addi %add3A_68, %add3A_69 : vector<16x100x4xi32>
    %swap3A = arith.constant 0 : index
    %swap3A_71 = arith.constant 0 : index
    %swap3A_72 = arith.constant 0 : index
    %swap3A_73 = vector.load %arg2[%swap3A, %swap3A_71, %swap3A_72] : memref<16x100x4xi32, #tpu.memory_space<vmem>>, vector<16x100x4xi32>
    tpu.vector_store %arg2[%swap3A, %swap3A_71, %swap3A_72], %add3A_70 {strides = array<i32>} : memref<16x100x4xi32, #tpu.memory_space<vmem>>, vector<16x100x4xi32>,
    return
  }
}

module attributes {stable_mosaic.version = 14 : i64} {
  func.func @_km_body(%arg0: i32, %arg1: memref<400x3072xf32, #tpu.memory_space<vmem>>, %arg2: memref<1x4x768xf32, #tpu.memory_space<vmem>>) attributes {dimension_semantics = [#tpu.dimension_semantics<arbitrary>], iteration_bounds = array<i64: 4>, scalar_prefetch = 0 : i64, scratch_operands = 0 : i64, tpu.core_type = #tpu.core_type<tc>, window_params = [{transform_indices = @transform_0, window_bounds = array<i64: 400, 3072>}, {transform_indices = @transform_1, window_bounds = array<i64: 1, 4, 768>}]} {
    %get3A = arith.constant 0 : index
    %get3A_0 = arith.constant 0 : index
    %get3A_1 = vector.load %arg1[%get3A, %get3A_0] : memref<400x3072xf32, #tpu.memory_space<vmem>>, vector<400x3072xf32>
    %convert_element_type3A = arith.truncf %get3A_1 : vector<400x3072xf32> to vector<400x3072xbf16>
    %convert_element_type3A_2 = arith.extf %convert_element_type3A : vector<400x3072xbf16> to vector<400x3072xf32>
    %sub3A = arith.subf %get3A_1, %convert_element_type3A_2 : vector<400x3072xf32>
    %convert_element_type3A_3 = arith.truncf %sub3A : vector<400x3072xf32> to vector<400x3072xbf16>
    %iota3A = tpu.iota {dimensions = array<i32: 0>} : vector<80x400xi32>
    %iota3A_4 = tpu.iota {dimensions = array<i32: 1>} : vector<80x400xi32>
    %jit3A = arith.constant 100 : i32
    %div3A = vector.broadcast %jit3A : i32 to vector<80x400xi32>
    %div3A_5 = arith.divsi %iota3A_4, %div3A : vector<80x400xi32>
    %sign3A = arith.constant 0 : i32
    %sign3A_6 = vector.broadcast %sign3A : i32 to vector<80x400xi32>
    %sign3A_7 = arith.cmpi sgt, %iota3A_4, %sign3A_6 : vector<80x400xi32>
    %sign3A_8 = arith.extui %sign3A_7 : vector<80x400xi1> to vector<80x400xi32>
    %sign3A_9 = arith.constant 0 : i32
    %sign3A_10 = vector.broadcast %sign3A_9 : i32 to vector<80x400xi32>
    %sign3A_11 = arith.cmpi slt, %iota3A_4, %sign3A_10 : vector<80x400xi32>
    %sign3A_12 = arith.extui %sign3A_11 : vector<80x400xi1> to vector<80x400xi32>
    %sign3A_13 = arith.subi %sign3A_8, %sign3A_12 : vector<80x400xi32>
    %sign3A_14 = arith.constant 0 : i32
    %sign3A_15 = arith.cmpi sgt, %jit3A, %sign3A_14 : i32
    %sign3A_16 = arith.extui %sign3A_15 : i1 to i32
    %sign3A_17 = arith.constant 0 : i32
    %sign3A_18 = arith.cmpi slt, %jit3A, %sign3A_17 : i32
    %sign3A_19 = arith.extui %sign3A_18 : i1 to i32
    %sign3A_20 = arith.subi %sign3A_16, %sign3A_19 : i32
    %ne3A = vector.broadcast %sign3A_20 : i32 to vector<80x400xi32>
    %ne3A_21 = arith.cmpi ne, %sign3A_13, %ne3A : vector<80x400xi32>
    %rem3A = vector.broadcast %jit3A : i32 to vector<80x400xi32>
    %rem3A_22 = arith.remsi %iota3A_4, %rem3A : vector<80x400xi32>
    %ne3A_23 = arith.constant 0 : i32
    %ne3A_24 = vector.broadcast %ne3A_23 : i32 to vector<80x400xi32>
    %ne3A_25 = arith.cmpi ne, %rem3A_22, %ne3A_24 : vector<80x400xi32>
    %and3A = arith.andi %ne3A_21, %ne3A_25 : vector<80x400xi1>
    %sub3A_26 = arith.constant 1 : i32
    %sub3A_27 = vector.broadcast %sub3A_26 : i32 to vector<80x400xi32>
    %sub3A_28 = arith.subi %div3A_5, %sub3A_27 : vector<80x400xi32>
    %select_n3A = arith.select %and3A, %sub3A_28, %div3A_5 : vector<80x400xi1>, vector<80x400xi32>
    %jit3A_29 = arith.constant 20 : i32
    %div3A_30 = vector.broadcast %jit3A_29 : i32 to vector<80x400xi32>
    %div3A_31 = arith.divsi %iota3A, %div3A_30 : vector<80x400xi32>
    %sign3A_32 = arith.constant 0 : i32
    %sign3A_33 = vector.broadcast %sign3A_32 : i32 to vector<80x400xi32>
    %sign3A_34 = arith.cmpi sgt, %iota3A, %sign3A_33 : vector<80x400xi32>
    %sign3A_35 = arith.extui %sign3A_34 : vector<80x400xi1> to vector<80x400xi32>
    %sign3A_36 = arith.constant 0 : i32
    %sign3A_37 = vector.broadcast %sign3A_36 : i32 to vector<80x400xi32>
    %sign3A_38 = arith.cmpi slt, %iota3A, %sign3A_37 : vector<80x400xi32>
    %sign3A_39 = arith.extui %sign3A_38 : vector<80x400xi1> to vector<80x400xi32>
    %sign3A_40 = arith.subi %sign3A_35, %sign3A_39 : vector<80x400xi32>
    %sign3A_41 = arith.constant 0 : i32
    %sign3A_42 = arith.cmpi sgt, %jit3A_29, %sign3A_41 : i32
    %sign3A_43 = arith.extui %sign3A_42 : i1 to i32
    %sign3A_44 = arith.constant 0 : i32
    %sign3A_45 = arith.cmpi slt, %jit3A_29, %sign3A_44 : i32
    %sign3A_46 = arith.extui %sign3A_45 : i1 to i32
    %sign3A_47 = arith.subi %sign3A_43, %sign3A_46 : i32
    %ne3A_48 = vector.broadcast %sign3A_47 : i32 to vector<80x400xi32>
    %ne3A_49 = arith.cmpi ne, %sign3A_40, %ne3A_48 : vector<80x400xi32>
    %rem3A_50 = vector.broadcast %jit3A_29 : i32 to vector<80x400xi32>
    %rem3A_51 = arith.remsi %iota3A, %rem3A_50 : vector<80x400xi32>
    %ne3A_52 = arith.constant 0 : i32
    %ne3A_53 = vector.broadcast %ne3A_52 : i32 to vector<80x400xi32>
    %ne3A_54 = arith.cmpi ne, %rem3A_51, %ne3A_53 : vector<80x400xi32>
    %and3A_55 = arith.andi %ne3A_49, %ne3A_54 : vector<80x400xi1>
    %sub3A_56 = arith.constant 1 : i32
    %sub3A_57 = vector.broadcast %sub3A_56 : i32 to vector<80x400xi32>
    %sub3A_58 = arith.subi %div3A_31, %sub3A_57 : vector<80x400xi32>
    %select_n3A_59 = arith.select %and3A_55, %sub3A_58, %div3A_31 : vector<80x400xi1>, vector<80x400xi32>
    %eq3A = arith.cmpi eq, %select_n3A_59, %select_n3A : vector<80x400xi32>
    %jit3A_60 = arith.constant 0.000000e+00 : f32
    %jit3A_61 = arith.constant 1.000000e+09 : f32
    %broadcast_in_dim3A = vector.broadcast %jit3A_60 : f32 to vector<80x400xf32>
    %broadcast_in_dim3A_62 = vector.broadcast %jit3A_61 : f32 to vector<80x400xf32>
    %select_n3A_63 = arith.select %eq3A, %broadcast_in_dim3A, %broadcast_in_dim3A_62 : vector<80x400xi1>, vector<80x400xf32>
    %slice3A = vector.extract_strided_slice %get3A_1 {offsets = [0, 0], sizes = [20, 3072], strides = [1, 1]} : vector<400x3072xf32> to vector<20x3072xf32>
    %slice3A_64 = vector.extract_strided_slice %get3A_1 {offsets = [100, 0], sizes = [20, 3072], strides = [1, 1]} : vector<400x3072xf32> to vector<20x3072xf32>
    %slice3A_65 = vector.extract_strided_slice %get3A_1 {offsets = [200, 0], sizes = [20, 3072], strides = [1, 1]} : vector<400x3072xf32> to vector<20x3072xf32>
    %slice3A_66 = vector.extract_strided_slice %get3A_1 {offsets = [300, 0], sizes = [20, 3072], strides = [1, 1]} : vector<400x3072xf32> to vector<20x3072xf32>
    %concatenate3A = tpu.concatenate %slice3A, %slice3A_64, %slice3A_65, %slice3A_66 in 0 : vector<20x3072xf32>, vector<20x3072xf32>, vector<20x3072xf32>, vector<20x3072xf32> -> vector<80x3072xf32>
    %broadcast_in_dim3A_67 = arith.constant -1 : i32
    %broadcast_in_dim3A_68 = vector.broadcast %broadcast_in_dim3A_67 : i32 to vector<1x400xi32>
    %while3A = arith.constant 0 : i32
    %while3A_69 = arith.constant true
    %while3A_70:4 = scf.while (%while3A_176 = %while3A, %while3A_177 = %concatenate3A, %while3A_178 = %broadcast_in_dim3A_68, %while3A_179 = %while3A_69) : (i32, vector<80x3072xf32>, vector<1x400xi32>, i1) -> (i32, vector<80x3072xf32>, vector<1x400xi32>, i1) {
      %lt3A = arith.constant 10 : i32
      %lt3A_180 = arith.cmpi slt, %while3A_176, %lt3A : i32
      %and3A_181 = arith.andi %lt3A_180, %while3A_179 : i1
      scf.condition(%and3A_181) %while3A_176, %while3A_177, %while3A_178, %while3A_179 : i32, vector<80x3072xf32>, vector<1x400xi32>, i1
    } do {
    ^bb0(%while3A_176: i32, %while3A_177: vector<80x3072xf32>, %while3A_178: vector<1x400xi32>, %while3A_179: i1):
      %mul3A_180 = arith.mulf %while3A_177, %while3A_177 : vector<80x3072xf32>
      %reduce_sum3A_181 = arith.constant dense<0.000000e+00> : vector<80xf32>
      %reduce_sum3A_182 = vector.multi_reduction <add>, %mul3A_180, %reduce_sum3A_181 [1] : vector<80x3072xf32> to vector<80xf32>
      %broadcast_in_dim3A_183 = vector.shape_cast %reduce_sum3A_182 : vector<80xf32> to vector<80x1xf32>
      %convert_element_type3A_184 = arith.truncf %while3A_177 : vector<80x3072xf32> to vector<80x3072xbf16>
      %convert_element_type3A_185 = arith.extf %convert_element_type3A_184 : vector<80x3072xbf16> to vector<80x3072xf32>
      %sub3A_186 = arith.subf %while3A_177, %convert_element_type3A_185 : vector<80x3072xf32>
      %convert_element_type3A_187 = arith.truncf %sub3A_186 : vector<80x3072xf32> to vector<80x3072xbf16>
      %dot_general3A_188 = arith.constant dense<0.000000e+00> : vector<80x400xf32>
      %dot_general3A_189 = tpu.matmul %convert_element_type3A_184, %convert_element_type3A, %dot_general3A_188 {dimension_numbers = #tpu.dot_dimension_numbers<[1], [1], [0], [0], [0, 0, 1, 0], [], []>, transpose_lhs_hint = false} : vector<80x3072xbf16>, vector<400x3072xbf16>, vector<80x400xf32> -> vector<80x400xf32>
      %dot_general3A_190 = arith.constant dense<0.000000e+00> : vector<80x400xf32>
      %dot_general3A_191 = tpu.matmul %convert_element_type3A_184, %convert_element_type3A_3, %dot_general3A_190 {dimension_numbers = #tpu.dot_dimension_numbers<[1], [1], [0], [0], [0, 0, 1, 0], [], []>, transpose_lhs_hint = false} : vector<80x3072xbf16>, vector<400x3072xbf16>, vector<80x400xf32> -> vector<80x400xf32>
      %add3A_192 = arith.addf %dot_general3A_189, %dot_general3A_191 : vector<80x400xf32>
      %dot_general3A_193 = arith.constant dense<0.000000e+00> : vector<80x400xf32>
      %dot_general3A_194 = tpu.matmul %convert_element_type3A_187, %convert_element_type3A, %dot_general3A_193 {dimension_numbers = #tpu.dot_dimension_numbers<[1], [1], [0], [0], [0, 0, 1, 0], [], []>, transpose_lhs_hint = false} : vector<80x3072xbf16>, vector<400x3072xbf16>, vector<80x400xf32> -> vector<80x400xf32>
      %add3A_195 = arith.addf %add3A_192, %dot_general3A_194 : vector<80x400xf32>
      %mul3A_196 = arith.constant 2.000000e+00 : f32
      %mul3A_197 = vector.broadcast %mul3A_196 : f32 to vector<80x400xf32>
      %mul3A_198 = arith.mulf %mul3A_197, %add3A_195 : vector<80x400xf32>
      %sub3A_199 = vector.broadcast %broadcast_in_dim3A_183 : vector<80x1xf32> to vector<80x400xf32>
      %sub3A_200 = arith.subf %sub3A_199, %mul3A_198 : vector<80x400xf32>
      %add3A_201 = arith.addf %sub3A_200, %select_n3A_63 : vector<80x400xf32>
      %reduce_min3A_202 = arith.constant dense<0x7F800000> : vector<400xf32>
      %reduce_min3A_203 = vector.multi_reduction <minimumf>, %add3A_201, %reduce_min3A_202 [0] : vector<80x400xf32> to vector<400xf32>
      %broadcast_in_dim3A_204 = vector.shape_cast %reduce_min3A_203 : vector<400xf32> to vector<1x400xf32>
      %eq3A_205 = vector.broadcast %broadcast_in_dim3A_204 : vector<1x400xf32> to vector<80x400xf32>
      %eq3A_206 = arith.cmpf oeq, %add3A_201, %eq3A_205 : vector<80x400xf32>
      %jit3A_207 = arith.constant 80 : i32
      %broadcast_in_dim3A_208 = vector.broadcast %jit3A_207 : i32 to vector<80x400xi32>
      %select_n3A_209 = arith.select %eq3A_206, %iota3A, %broadcast_in_dim3A_208 : vector<80x400xi1>, vector<80x400xi32>
      %reduce_min3A_210 = arith.constant dense<2147483647> : vector<400xi32>
      %reduce_min3A_211 = vector.multi_reduction <minsi>, %select_n3A_209, %reduce_min3A_210 [0] : vector<80x400xi32> to vector<400xi32>
      %broadcast_in_dim3A_212 = vector.shape_cast %reduce_min3A_211 : vector<400xi32> to vector<1x400xi32>
      %ne3A_213 = arith.cmpi ne, %broadcast_in_dim3A_212, %while3A_178 : vector<1x400xi32>
      %reduce_or3A = arith.constant 1.000000e+00 : f32
      %reduce_or3A_214 = arith.constant 0.000000e+00 : f32
      %reduce_or3A_215 = vector.broadcast %reduce_or3A : f32 to vector<1x400xf32>
      %reduce_or3A_216 = vector.broadcast %reduce_or3A_214 : f32 to vector<1x400xf32>
      %reduce_or3A_217 = arith.select %ne3A_213, %reduce_or3A_215, %reduce_or3A_216 : vector<1x400xi1>, vector<1x400xf32>
      %reduce_or3A_218 = vector.shape_cast %reduce_or3A_217 : vector<1x400xf32> to vector<1x1x400xf32>
      %reduce_or3A_219 = arith.constant dense<0xFF800000> : vector<1xf32>
      %reduce_or3A_220 = vector.multi_reduction <maximumf>, %reduce_or3A_218, %reduce_or3A_219 [1, 2] : vector<1x1x400xf32> to vector<1xf32>
      %reduce_or3A_221 = vector.shape_cast %reduce_or3A_220 : vector<1xf32> to vector<1x1x1xf32>
      %reduce_or3A_222 = vector.extract %reduce_or3A_221[0, 0, 0] : f32 from vector<1x1x1xf32>
      %reduce_or3A_223 = arith.constant 0.000000e+00 : f32
      %reduce_or3A_224 = arith.cmpf ogt, %reduce_or3A_222, %reduce_or3A_223 : f32
      %eq3A_225 = vector.broadcast %broadcast_in_dim3A_212 : vector<1x400xi32> to vector<80x400xi32>
      %eq3A_226 = arith.cmpi eq, %iota3A, %eq3A_225 : vector<80x400xi32>
      %convert_element_type3A_227 = arith.extui %eq3A_226 : vector<80x400xi1> to vector<80x400xi32>
      %convert_element_type3A_228 = arith.sitofp %convert_element_type3A_227 : vector<80x400xi32> to vector<80x400xf32>
      %reduce_sum3A_229 = arith.constant dense<0.000000e+00> : vector<80xf32>
      %reduce_sum3A_230 = vector.multi_reduction <add>, %convert_element_type3A_228, %reduce_sum3A_229 [1] : vector<80x400xf32> to vector<80xf32>
      %broadcast_in_dim3A_231 = vector.shape_cast %reduce_sum3A_230 : vector<80xf32> to vector<80x1xf32>
      %convert_element_type3A_232 = arith.truncf %convert_element_type3A_228 : vector<80x400xf32> to vector<80x400xbf16>
      %dot_general3A_233 = arith.constant dense<0.000000e+00> : vector<80x3072xf32>
      %dot_general3A_234 = tpu.matmul %convert_element_type3A_232, %convert_element_type3A, %dot_general3A_233 {dimension_numbers = #tpu.dot_dimension_numbers<[1], [0], [0], [1], [0, 0, 1, 1], [], []>, transpose_lhs_hint = false} : vector<80x400xbf16>, vector<400x3072xbf16>, vector<80x3072xf32> -> vector<80x3072xf32>
      %dot_general3A_235 = arith.constant dense<0.000000e+00> : vector<80x3072xf32>
      %dot_general3A_236 = tpu.matmul %convert_element_type3A_232, %convert_element_type3A_3, %dot_general3A_235 {dimension_numbers = #tpu.dot_dimension_numbers<[1], [0], [0], [1], [0, 0, 1, 1], [], []>, transpose_lhs_hint = false} : vector<80x400xbf16>, vector<400x3072xbf16>, vector<80x3072xf32> -> vector<80x3072xf32>
      %add3A_237 = arith.addf %dot_general3A_234, %dot_general3A_236 : vector<80x3072xf32>
      %gt3A = arith.constant 0.000000e+00 : f32
      %gt3A_238 = vector.broadcast %gt3A : f32 to vector<80x1xf32>
      %gt3A_239 = arith.cmpf ogt, %broadcast_in_dim3A_231, %gt3A_238 : vector<80x1xf32>
      %max3A_240 = arith.constant 1.000000e+00 : f32
      %max3A_241 = vector.broadcast %max3A_240 : f32 to vector<80x1xf32>
      %max3A_242 = arith.maximumf %broadcast_in_dim3A_231, %max3A_241 : vector<80x1xf32>
      %div3A_243 = vector.broadcast %max3A_242 : vector<80x1xf32> to vector<80x3072xf32>
      %div3A_244 = arith.divf %add3A_237, %div3A_243 : vector<80x3072xf32>
      %broadcast_in_dim3A_245 = vector.shape_cast %gt3A_239 : vector<80x1xi1> to vector<80x1xi1>
      %broadcast_in_dim3A_246 = vector.broadcast %broadcast_in_dim3A_245 : vector<80x1xi1> to vector<80x3072xi1>
      %select_n3A_247 = arith.select %broadcast_in_dim3A_246, %div3A_244, %while3A_177 : vector<80x3072xi1>, vector<80x3072xf32>
      %add3A_248 = arith.constant 1 : i32
      %add3A_249 = arith.addi %while3A_176, %add3A_248 : i32
      scf.yield %add3A_249, %select_n3A_247, %broadcast_in_dim3A_212, %reduce_or3A_224 : i32, vector<80x3072xf32>, vector<1x400xi32>, i1
    }
    %mul3A = arith.mulf %while3A_70#1, %while3A_70#1 : vector<80x3072xf32>
    %reduce_sum3A = arith.constant dense<0.000000e+00> : vector<80xf32>
    %reduce_sum3A_71 = vector.multi_reduction <add>, %mul3A, %reduce_sum3A [1] : vector<80x3072xf32> to vector<80xf32>
    %broadcast_in_dim3A_72 = vector.shape_cast %reduce_sum3A_71 : vector<80xf32> to vector<80x1xf32>
    %convert_element_type3A_73 = arith.truncf %while3A_70#1 : vector<80x3072xf32> to vector<80x3072xbf16>
    %convert_element_type3A_74 = arith.extf %convert_element_type3A_73 : vector<80x3072xbf16> to vector<80x3072xf32>
    %sub3A_75 = arith.subf %while3A_70#1, %convert_element_type3A_74 : vector<80x3072xf32>
    %convert_element_type3A_76 = arith.truncf %sub3A_75 : vector<80x3072xf32> to vector<80x3072xbf16>
    %dot_general3A = arith.constant dense<0.000000e+00> : vector<80x400xf32>
    %dot_general3A_77 = tpu.matmul %convert_element_type3A_73, %convert_element_type3A, %dot_general3A {dimension_numbers = #tpu.dot_dimension_numbers<[1], [1], [0], [0], [0, 0, 1, 0], [], []>, transpose_lhs_hint = false} : vector<80x3072xbf16>, vector<400x3072xbf16>, vector<80x400xf32> -> vector<80x400xf32>
    %dot_general3A_78 = arith.constant dense<0.000000e+00> : vector<80x400xf32>
    %dot_general3A_79 = tpu.matmul %convert_element_type3A_73, %convert_element_type3A_3, %dot_general3A_78 {dimension_numbers = #tpu.dot_dimension_numbers<[1], [1], [0], [0], [0, 0, 1, 0], [], []>, transpose_lhs_hint = false} : vector<80x3072xbf16>, vector<400x3072xbf16>, vector<80x400xf32> -> vector<80x400xf32>
    %add3A = arith.addf %dot_general3A_77, %dot_general3A_79 : vector<80x400xf32>
    %dot_general3A_80 = arith.constant dense<0.000000e+00> : vector<80x400xf32>
    %dot_general3A_81 = tpu.matmul %convert_element_type3A_76, %convert_element_type3A, %dot_general3A_80 {dimension_numbers = #tpu.dot_dimension_numbers<[1], [1], [0], [0], [0, 0, 1, 0], [], []>, transpose_lhs_hint = false} : vector<80x3072xbf16>, vector<400x3072xbf16>, vector<80x400xf32> -> vector<80x400xf32>
    %add3A_82 = arith.addf %add3A, %dot_general3A_81 : vector<80x400xf32>
    %mul3A_83 = arith.constant 2.000000e+00 : f32
    %mul3A_84 = vector.broadcast %mul3A_83 : f32 to vector<80x400xf32>
    %mul3A_85 = arith.mulf %mul3A_84, %add3A_82 : vector<80x400xf32>
    %sub3A_86 = vector.broadcast %broadcast_in_dim3A_72 : vector<80x1xf32> to vector<80x400xf32>
    %sub3A_87 = arith.subf %sub3A_86, %mul3A_85 : vector<80x400xf32>
    %add3A_88 = arith.addf %sub3A_87, %select_n3A_63 : vector<80x400xf32>
    %reduce_min3A = arith.constant dense<0x7F800000> : vector<400xf32>
    %reduce_min3A_89 = vector.multi_reduction <minimumf>, %add3A_88, %reduce_min3A [0] : vector<80x400xf32> to vector<400xf32>
    %broadcast_in_dim3A_90 = vector.shape_cast %reduce_min3A_89 : vector<400xf32> to vector<1x400xf32>
    %eq3A_91 = vector.broadcast %broadcast_in_dim3A_90 : vector<1x400xf32> to vector<80x400xf32>
    %eq3A_92 = arith.cmpf oeq, %add3A_88, %eq3A_91 : vector<80x400xf32>
    %jit3A_93 = arith.constant 80 : i32
    %broadcast_in_dim3A_94 = vector.broadcast %jit3A_93 : i32 to vector<80x400xi32>
    %select_n3A_95 = arith.select %eq3A_92, %iota3A, %broadcast_in_dim3A_94 : vector<80x400xi1>, vector<80x400xi32>
    %reduce_min3A_96 = arith.constant dense<2147483647> : vector<400xi32>
    %reduce_min3A_97 = vector.multi_reduction <minsi>, %select_n3A_95, %reduce_min3A_96 [0] : vector<80x400xi32> to vector<400xi32>
    %broadcast_in_dim3A_98 = vector.shape_cast %reduce_min3A_97 : vector<400xi32> to vector<1x400xi32>
    %eq3A_99 = vector.broadcast %broadcast_in_dim3A_98 : vector<1x400xi32> to vector<80x400xi32>
    %eq3A_100 = arith.cmpi eq, %iota3A, %eq3A_99 : vector<80x400xi32>
    %convert_element_type3A_101 = arith.extui %eq3A_100 : vector<80x400xi1> to vector<80x400xi32>
    %convert_element_type3A_102 = arith.sitofp %convert_element_type3A_101 : vector<80x400xi32> to vector<80x400xf32>
    %reduce_sum3A_103 = arith.constant dense<0.000000e+00> : vector<80xf32>
    %reduce_sum3A_104 = vector.multi_reduction <add>, %convert_element_type3A_102, %reduce_sum3A_103 [1] : vector<80x400xf32> to vector<80xf32>
    %broadcast_in_dim3A_105 = vector.shape_cast %reduce_sum3A_104 : vector<80xf32> to vector<80x1xf32>
    %slice3A_106 = vector.extract_strided_slice %get3A_1 {offsets = [0, 0], sizes = [400, 768], strides = [1, 1]} : vector<400x3072xf32> to vector<400x768xf32>
    %slice3A_107 = vector.extract_strided_slice %get3A_1 {offsets = [0, 768], sizes = [400, 768], strides = [1, 1]} : vector<400x3072xf32> to vector<400x768xf32>
    %add3A_108 = arith.addf %slice3A_106, %slice3A_107 : vector<400x768xf32>
    %slice3A_109 = vector.extract_strided_slice %get3A_1 {offsets = [0, 1536], sizes = [400, 768], strides = [1, 1]} : vector<400x3072xf32> to vector<400x768xf32>
    %add3A_110 = arith.addf %add3A_108, %slice3A_109 : vector<400x768xf32>
    %slice3A_111 = vector.extract_strided_slice %get3A_1 {offsets = [0, 2304], sizes = [400, 768], strides = [1, 1]} : vector<400x3072xf32> to vector<400x768xf32>
    %add3A_112 = arith.addf %add3A_110, %slice3A_111 : vector<400x768xf32>
    %dot_general3A_113 = arith.constant dense<0.000000e+00> : vector<80x768xf32>
    %dot_general3A_114 = tpu.matmul %convert_element_type3A_102, %add3A_112, %dot_general3A_113 {dimension_numbers = #tpu.dot_dimension_numbers<[1], [0], [0], [1], [0, 0, 1, 1], [], []>, precision = #tpu.contract_precision<fp32>, transpose_lhs_hint = false} : vector<80x400xf32>, vector<400x768xf32>, vector<80x768xf32> -> vector<80x768xf32>
    %mul3A_115 = arith.constant 4.000000e+00 : f32
    %mul3A_116 = vector.broadcast %mul3A_115 : f32 to vector<80x1xf32>
    %mul3A_117 = arith.mulf %mul3A_116, %broadcast_in_dim3A_105 : vector<80x1xf32>
    %max3A = arith.constant 1.000000e+00 : f32
    %max3A_118 = vector.broadcast %max3A : f32 to vector<80x1xf32>
    %max3A_119 = arith.maximumf %mul3A_117, %max3A_118 : vector<80x1xf32>
    %div3A_120 = vector.broadcast %max3A_119 : vector<80x1xf32> to vector<80x768xf32>
    %div3A_121 = arith.divf %dot_general3A_114, %div3A_120 : vector<80x768xf32>
    %iota3A_122 = tpu.iota {dimensions = array<i32: 1>} : vector<4x80xi32>
    %jit3A_123 = arith.constant 20 : i32
    %div3A_124 = vector.broadcast %jit3A_123 : i32 to vector<4x80xi32>
    %div3A_125 = arith.divsi %iota3A_122, %div3A_124 : vector<4x80xi32>
    %sign3A_126 = arith.constant 0 : i32
    %sign3A_127 = vector.broadcast %sign3A_126 : i32 to vector<4x80xi32>
    %sign3A_128 = arith.cmpi sgt, %iota3A_122, %sign3A_127 : vector<4x80xi32>
    %sign3A_129 = arith.extui %sign3A_128 : vector<4x80xi1> to vector<4x80xi32>
    %sign3A_130 = arith.constant 0 : i32
    %sign3A_131 = vector.broadcast %sign3A_130 : i32 to vector<4x80xi32>
    %sign3A_132 = arith.cmpi slt, %iota3A_122, %sign3A_131 : vector<4x80xi32>
    %sign3A_133 = arith.extui %sign3A_132 : vector<4x80xi1> to vector<4x80xi32>
    %sign3A_134 = arith.subi %sign3A_129, %sign3A_133 : vector<4x80xi32>
    %sign3A_135 = arith.constant 0 : i32
    %sign3A_136 = arith.cmpi sgt, %jit3A_123, %sign3A_135 : i32
    %sign3A_137 = arith.extui %sign3A_136 : i1 to i32
    %sign3A_138 = arith.constant 0 : i32
    %sign3A_139 = arith.cmpi slt, %jit3A_123, %sign3A_138 : i32
    %sign3A_140 = arith.extui %sign3A_139 : i1 to i32
    %sign3A_141 = arith.subi %sign3A_137, %sign3A_140 : i32
    %ne3A_142 = vector.broadcast %sign3A_141 : i32 to vector<4x80xi32>
    %ne3A_143 = arith.cmpi ne, %sign3A_134, %ne3A_142 : vector<4x80xi32>
    %rem3A_144 = vector.broadcast %jit3A_123 : i32 to vector<4x80xi32>
    %rem3A_145 = arith.remsi %iota3A_122, %rem3A_144 : vector<4x80xi32>
    %ne3A_146 = arith.constant 0 : i32
    %ne3A_147 = vector.broadcast %ne3A_146 : i32 to vector<4x80xi32>
    %ne3A_148 = arith.cmpi ne, %rem3A_145, %ne3A_147 : vector<4x80xi32>
    %and3A_149 = arith.andi %ne3A_143, %ne3A_148 : vector<4x80xi1>
    %sub3A_150 = arith.constant 1 : i32
    %sub3A_151 = vector.broadcast %sub3A_150 : i32 to vector<4x80xi32>
    %sub3A_152 = arith.subi %div3A_125, %sub3A_151 : vector<4x80xi32>
    %select_n3A_153 = arith.select %and3A_149, %sub3A_152, %div3A_125 : vector<4x80xi1>, vector<4x80xi32>
    %iota3A_154 = tpu.iota {dimensions = array<i32: 0>} : vector<4x80xi32>
    %eq3A_155 = arith.cmpi eq, %select_n3A_153, %iota3A_154 : vector<4x80xi32>
    %convert_element_type3A_156 = arith.extui %eq3A_155 : vector<4x80xi1> to vector<4x80xi32>
    %convert_element_type3A_157 = arith.sitofp %convert_element_type3A_156 : vector<4x80xi32> to vector<4x80xf32>
    %dot_general3A_158 = arith.constant dense<0.000000e+00> : vector<4x768xf32>
    %dot_general3A_159 = tpu.matmul %convert_element_type3A_157, %div3A_121, %dot_general3A_158 {dimension_numbers = #tpu.dot_dimension_numbers<[1], [0], [0], [1], [0, 0, 1, 1], [], []>, precision = #tpu.contract_precision<fp32>, transpose_lhs_hint = false} : vector<4x80xf32>, vector<80x768xf32>, vector<4x768xf32> -> vector<4x768xf32>
    %mul3A_160 = arith.constant 5.000000e-02 : f32
    %mul3A_161 = vector.broadcast %mul3A_160 : f32 to vector<4x768xf32>
    %mul3A_162 = arith.mulf %dot_general3A_159, %mul3A_161 : vector<4x768xf32>
    %mul3A_163 = arith.mulf %mul3A_162, %mul3A_162 : vector<4x768xf32>
    %reduce_sum3A_164 = arith.constant dense<0.000000e+00> : vector<4xf32>
    %reduce_sum3A_165 = vector.multi_reduction <add>, %mul3A_163, %reduce_sum3A_164 [1] : vector<4x768xf32> to vector<4xf32>
    %broadcast_in_dim3A_166 = vector.shape_cast %reduce_sum3A_165 : vector<4xf32> to vector<4x1xf32>
    %sqrt3A = math.sqrt %broadcast_in_dim3A_166 : vector<4x1xf32>
    %max3A_167 = arith.constant 9.99999996E-13 : f32
    %max3A_168 = vector.broadcast %max3A_167 : f32 to vector<4x1xf32>
    %max3A_169 = arith.maximumf %sqrt3A, %max3A_168 : vector<4x1xf32>
    %div3A_170 = vector.broadcast %max3A_169 : vector<4x1xf32> to vector<4x768xf32>
    %div3A_171 = arith.divf %mul3A_162, %div3A_170 : vector<4x768xf32>
    %broadcast_in_dim3A_172 = vector.shape_cast %div3A_171 : vector<4x768xf32> to vector<1x4x768xf32>
    %swap3A = arith.constant 0 : index
    %swap3A_173 = arith.constant 0 : index
    %swap3A_174 = arith.constant 0 : index
    %swap3A_175 = vector.load %arg2[%swap3A, %swap3A_173, %swap3A_174] : memref<1x4x768xf32, #tpu.memory_space<vmem>>, vector<1x4x768xf32>
    tpu.vector_store %arg2[%swap3A, %swap3A_173, %swap3A_174], %broadcast_in_dim3A_172 {strides = array<i32>} : memref<1x4x768xf32, #tpu.memory_space<vmem>>, vector<1x4x768xf32>,
    return
  }
  func.func @transform_0(%arg0: i32) -> (i32, i32) {
    %c0_i32 = arith.constant 0 : i32
    %c0_i32_0 = arith.constant 0 : i32
    return %arg0, %c0_i32 : i32, i32
  }
  func.func @transform_1(%arg0: i32) -> (i32, i32, i32) {
    %c0_i32 = arith.constant 0 : i32
    %c0_i32_0 = arith.constant 0 : i32
    %c0_i32_1 = arith.constant 0 : i32
    return %arg0, %c0_i32, %c0_i32_0 : i32, i32, i32
  }
}

</mosaic_0001>

<sc_bundles>
// kernel: kernel.5.cloned.1.call-start
scs
__scs_entry_jumppad:
0x0: {  	(pc) =	sbr.rel $0x88, $3  }
0x1: {  	(tag) =	ssettag $0x0;
	lr =	simm.s32 $0x1  }
0x2: {  	[smem:$0x3F9F] =	sst lr;
	_ =	strace $0xD0000000  }
0x3: {  	_ = 	snop  }
0x4: {  	_ = 	snop  }
0x5: {  	_ = 	snop  }
0x6: {  	_ = 	snop  }
0x7: {  	_ = 	snop  }
__scs_overlays_trampoline_lowered:
0x8: {  	[smem:$0x3FAE] =	sst s0  }
0x9: {  	[smem:$0x3FAF] =	sst s1  }
0xa: {  	[smem:$0x3FB0] =	sst s2  }
0xb: {  	[smem:$0x3FB1] =	sst s3  }
0xc: {  	[smem:$0x3FB2] =	sst s4  }
0xd: {  	[smem:$0x3FB3] =	sst s5  }
0xe: {  	[smem:$0x3FB4] =	sst s6  }
0xf: {  	[smem:$0x3FB5] =	sst s7  }
0x10: {  	[smem:$0x3FB6] =	sst s8  }
0x11: {  	[smem:$0x3FB7] =	sst s9;
	s0 =	simm.s32 @!p0 $0x0  }
0x12: {  	s1 =	sld [smem:$0x3F9D];
	s0 =	simm.s32 @p0 $0x1  }
0x13: {  	[smem:$0x3FB8] =	sst s0;
	s0 =	simm.s32 @!p1 $0x0  }
0x14: {  	s2 =	sld [smem:$0x3F9C];
	s0 =	simm.s32 @p1 $0x1  }
0x15: {  	[smem:$0x3FB9] =	sst s0;
	s0 =	simm.s32 @!p2 $0x0  }
0x16: {  	s3 =	sld [smem:$0x3FDB];
	s0 =	simm.s32 @p2 $0x1  }
0x17: {  	s4 =	simm.s32 $0x1BF5;
	[smem:$0x3FBB] =	sst s0  }
0x18: {  	s0 =	sld [smem:$0x3F9E];
	_ =	swait.ge [sflag:s4], $0x0  }
0x19: {  	s7 =	sld [smem:$0x3F9F]  }
0x1a: {  	s8 =	sadd.s32 $0xFFFFE003, lr  }
0x1b: {  	s9 =	sadd.s32 $0xFFFFFEF7, lr;
	s5 =	simm.s32 $0xFFFFFFFF;
	p2 =	slt.u32 s8, $0xFFFFF086  }
0x1c: {  	p1 =	slt.u32 s9, $0xF7A;
	s5 =	simm.s32 @!p2 $0x0  }
0x1d: {  	s5 =	simm.s32 @p1 $0x1;
	p0 =	seq.s32 s7, s2  }
0x1e: {  	s7 =	smul.u32 @!p0 $0xF7A, s2;
	p2 =	seq.s32 @!p0 s5, $0x0  }
0x1f: {  	s9 =	smul.u32 $0xF7A, s1;
	s8 =	simm.s32 @!p0 $0x1BF5;
	p2 =	por !p2, p0  }
0x20: {  	[sflag:s8] =	ssyncset.s32 @!p0 $0xFFFFF086;
	s6 =	sadd.s32 @!p0 s3, s7;
	s7 =	simm.s32 @!p0 $0x108  }
0x21: {  	s3 =	sadd.s32 s3, s9;
	s6 =	sadd.s32 @!p0 $0x88, s6;
	s7 =	simm.s32 @p2 $0x1082  }
0x22: {  	[simem:s7], [sflag:s8] =	dma.local @!p0 [hbm:s6], $0xF7A  }
0x23: {  	s9 =	sor.u32 $0xD0000000, s2;
	s6 =	simm.s32 $0x108;
	_ =	swait.ge @!p0 [sflag:s8], $0x0  }
0x24: {  	s3 =	sadd.s32 $0x88, s3;
	s6 =	simm.s32 @!p1 $0x1082;
	[sflag:s4] =	ssyncset.s32 $0xFFFFF086  }
0x25: {  	[simem:s6], [sflag:s4] =	dma.local [hbm:s3], $0xF7A  }
0x26: {  	[smem:$0x3F9F] =	sst s1;
	(tag) =	ssettag s2;
	_ =	strace s9  }
0x27: {  	s1 =	sld [smem:$0x3FAF]  }
0x28: {  	s2 =	sld [smem:$0x3FB0]  }
0x29: {  	s4 =	sld [smem:$0x3FB2]  }
0x2a: {  	p0 =	seq.s32 s5, $0x0;
	s5 =	sld [smem:$0x3FB3]  }
0x2b: {  	s6 =	sld [smem:$0x3FB4]  }
0x2c: {  	s7 =	sld [smem:$0x3FB5]  }
0x2d: {  	s3 =	simm.s32 $0x108;
	s8 =	sld [smem:$0x3FB6]  }
0x2e: {  	s3 =	simm.s32 @!p0 $0x1082;
	s9 =	sld [smem:$0x3FB7]  }
0x2f: {  	lr =	sadd.s32 s0, s3;
	s0 =	sld [smem:$0x3FAE]  }
0x30: {  	s3 =	sld [smem:$0x3FB1]  }
0x31: {  	[smem:$0x3FBA] =	sst s10  }
0x32: {  	s10 =	sld [smem:$0x3FB8];
	_ =	sdelay $0x3  }
0x33: {  	p0 =	seq.s32 s10, $0x1;
	s10 =	sld [smem:$0x3FBA];
	_ =	sdelay $0x3  }
0x34: {  	[smem:$0x3FBA] =	sst s10  }
0x35: {  	s10 =	sld [smem:$0x3FB9];
	_ =	sdelay $0x3  }
0x36: {  	p1 =	seq.s32 s10, $0x1;
	s10 =	sld [smem:$0x3FBA];
	_ =	sdelay $0x3  }
0x37: {  	[smem:$0x3FBA] =	sst s10  }
0x38: {  	s10 =	sld [smem:$0x3FBB]  }
0x39: {  	_ = 	snop;
	(pc) =	sbr.ind lr, $3  }
0x3a: {  	_ = 	snop  }
0x3b: {  	_ = 	snop  }
0x3c: {  	p2 =	seq.s32 s10, $0x1;
	s10 =	sld [smem:$0x3FBA]  }
0x3d: {  	_ =	shalt  }
0x3e: {  	_ =	shalt  }
0x3f: {  	_ =	shalt  }
0x40: {  	_ =	shalt  }
0x41: {  	_ =	shalt  }
0x42: {  	_ =	shalt  }
0x43: {  	_ =	shalt  }
0x44: {  	_ =	shalt  }
0x45: {  	_ =	shalt  }
0x46: {  	_ =	shalt  }
0x47: {  	_ =	shalt  }
0x48: {  	_ =	shalt  }
0x49: {  	_ =	shalt  }
0x4a: {  	_ =	shalt  }
0x4b: {  	_ =	shalt  }
0x4c: {  	_ =	shalt  }
0x4d: {  	_ =	shalt  }
0x4e: {  	_ =	shalt  }
0x4f: {  	_ =	shalt  }
0x50: {  	_ =	shalt  }
0x51: {  	_ =	shalt  }
0x52: {  	_ =	shalt  }
0x53: {  	_ =	shalt  }
0x54: {  	_ =	shalt  }
0x55: {  	_ =	shalt  }
0x56: {  	_ =	shalt  }
0x57: {  	_ =	shalt  }
0x58: {  	_ =	shalt  }
0x59: {  	_ =	shalt  }
0x5a: {  	_ =	shalt  }
0x5b: {  	_ =	shalt  }
0x5c: {  	_ =	shalt  }
0x5d: {  	_ =	shalt  }
0x5e: {  	_ =	shalt  }
0x5f: {  	_ =	shalt  }
0x60: {  	_ =	shalt  }
0x61: {  	_ =	shalt  }
0x62: {  	_ =	shalt  }
0x63: {  	_ =	shalt  }
0x64: {  	_ =	shalt  }
0x65: {  	_ =	shalt  }
0x66: {  	_ =	shalt  }
0x67: {  	_ =	shalt  }
0x68: {  	_ =	shalt  }
0x69: {  	_ =	shalt  }
0x6a: {  	_ =	shalt  }
0x6b: {  	_ =	shalt  }
0x6c: {  	_ =	shalt  }
0x6d: {  	_ =	shalt  }
0x6e: {  	_ =	shalt  }
0x6f: {  	_ =	shalt  }
0x70: {  	_ =	shalt  }
0x71: {  	_ =	shalt  }
0x72: {  	_ =	shalt  }
0x73: {  	_ =	shalt  }
0x74: {  	_ =	shalt  }
0x75: {  	_ =	shalt  }
0x76: {  	_ =	shalt  }
0x77: {  	_ =	shalt  }
0x78: {  	_ =	shalt  }
0x79: {  	_ =	shalt  }
0x7a: {  	_ =	shalt  }
0x7b: {  	_ =	shalt  }
0x7c: {  	_ =	shalt  }
0x7d: {  	_ =	shalt  }
0x7e: {  	_ =	shalt  }
0x7f: {  	_ =	shalt  }
0x80: {  	_ =	shalt  }
0x81: {  	_ =	shalt  }
0x82: {  	_ =	shalt  }
0x83: {  	_ =	shalt  }
0x84: {  	_ =	shalt  }
0x85: {  	_ =	shalt  }
0x86: {  	_ =	shalt  }
0x87: {  	_ =	shalt  }
.Lfunc_end0:
.L_simem_size_0:
called_computation_lowered:
.L_overlay_start_0:
0x88: {  	s2 =	sld [smem:$0x3FD9]  }
0x89: {  	s3 =	sld [smem:$0x3FFE];
	_ =	sdelay $0x1  }
0x8a: {  	s1 =	srdreg.scid  }
0x8b: {  	s0 =	sand.u32 $0x1, s1  }
0x8c: {  	s17 =	sshll.u32 s0, $0xA;
	s2 =	sadd.s32 s3, s2  }
0x8d: {  	s2 =	sadd.s32 s2, s17  }
0x8e: {  	[smem:$0x3FC6] =	sst s2  }
0x8f: {  	_ = 	snop  }
0x90: {  	s2 =	sld [smem:$0x3FC9]  }
0x91: {  	s18 =	sld [smem:$0x3FD0];
	(tm) =	ssettm $0x1  }
0x92: {  	s4 =	sld [smem:$0x3FFB];
	_ =	sdelay $0x3  }
0x93: {  	_ =	strace s4  }
0x94: {  	s4 =	sld [smem:$0x3FFC];
	_ =	sdelay $0x3  }
0x95: {  	_ =	strace s4  }
0x96: {  	s4 =	sld [smem:$0x3FFD];
	_ =	sdelay $0x3  }
0x97: {  	_ =	strace s4  }
0x98: {  	_ =	strace $0x8FFFFFFF  }
0x99: {  	s19 =	sld [smem:$0x3FDB];
	_ =	sdelay $0x1  }
0x9a: {  	s5 =	simm.s32 $_scs_section_size  }
0x9b: {  	s6 =	simm.s32 $_size__tile_overlayer_lowered;
	s7 =	simm.s32 $_tile_overlayer_lowered  }
0x9c: {  	s22 =	simm.s32 $0x1BFF;
	s21 =	sshll.u32 s7, $0x1;
	s4 =	sadd.s32 s5, s19  }
0x9d: {  	s8 =	simm.s32 $0x0;
	s20 =	sshll.u32 s6, $0x1;
	s6 =	sadd.s32 s21, s4  }
0x9e: {  	[timem:s8], [sflag:s22] =	dma.local [hbm:s6], s20  }
0x9f: {  	_ =	swait.ge [sflag:s22], s20  }
0xa0: {  	s5 =	ssub.s32 $0x0, s20;
	[sflag:s22] =	ssyncset.done $0x0  }
0xa1: {  	[sflag:s22] =	ssyncadd.s32 s5;
	_ =	sdelay $0x1  }
0xa2: {  	s23 =	simm.s32 $0x1B8B  }
0xa3: {  	_ =	swait.ge [sflag:s23], $0x1  }
0xa4: {  	[sflag:s23] =	ssyncset.done $0x0  }
0xa5: {  	s25 =	simm.s32 $0x1B8E;
	s24 =	sld [smem:$0x3FFE];
	[sflag:s23] =	ssyncadd.s32 $0xFFFFFFFF  }
0xa6: {  	s26 =	simm.s32 $execute0_lowered;
	[smem:$0x3FD2] =	sst s25  }
0xa7: {  	s6 =	sshll.u32 s26, $0x1;
	_ =	strace $0x80000046;
	[dreg:$0x1] =	wrdreg $0xFFFFFFFF  }
0xa8: {  	s28 =	simm.s32 $_size_execute0_lowered;
	s4 =	sadd.s32 s4, s6;
	[dreg:$0x0] =	wrdreg $0x0  }
0xa9: {  	s6 =	sshll.u32 s28, $0x1;
	[dreg:$0x2] =	wrdreg s4  }
0xaa: {  	[dreg:$0x3] =	wrdreg s6  }
0xab: {  	[dreg:$0x4] =	wrdreg $0xC0  }
0xac: {  	_ =	task [dreg:s8], $0x5FFFF  }
0xad: {  	[dreg:$0x1] =	wrdreg $0xFFFFFFFF  }
0xae: {  	[dreg:$0x0] =	wrdreg $0x60  }
0xaf: {  	[dreg:$0x2] =	wrdreg s2  }
0xb0: {  	[dreg:$0x3] =	wrdreg s18  }
0xb1: {  	[dreg:$0x4] =	wrdreg s24  }
0xb2: {  	[dreg:$0x5] =	wrdreg $0x9  }
0xb3: {  	_ =	task.clear_ibuf [dreg:s8], $0x6FFFF;
	_ =	strace $0x90000046  }
0xb4: {  	s29 =	simm.s32 $0x9;
	_ =	strace $0x80000048  }
0xb5: {  	_ =	swait.ge [sflag:s29], $0x1  }
0xb6: {  	[sflag:s29] =	ssyncadd.s32 $0xFFFFFFFF  }
0xb7: {  	_ =	strace $0x90000048  }
0xb8: {  	_ =	sfence  }
0xb9: {  	s30 =	sld [smem:$0x0];
	_ =	sdelay $0x2  }
0xba: {  	s31 =	sshll.u32 s1, $0xD;
	s1 =	sshrl.u32 s1, $0x2  }
0xbb: {  	s3 =	sand.u32 $0x4000, s31;
	s1 =	sadd.s32 s1, s30  }
0xbc: {  	s0 =	sor.u32 s3, s0;
	s1 =	sshll.u32 s1, $0x11  }
0xbd: {  	s0 =	sor.u32 s1, s0  }
0xbe: {  	s0 =	sadd.s32 $0x8F2B, s0  }
0xbf: {  	[sflag:s0] =	ssyncadd.remote.s32 $0x1  }
0xc0: {  	_ =	sfence.sel $0xFFFF  }
0xc1: {  	[dreg:$0x0] =	wrdreg $0xFFFFFFFF;
	(pc) =	sbr.abs _section_cstart, $3  }
0xc2: {  	[dreg:$0x1] =	wrdreg $0xFFFFFFFF  }
0xc3: {  	_ =	task.clear_ibuf [dreg:s8], $0x2FFFF;
	_ =	strace $0x9FFFFFFF  }
0xc4: {  	(tm) =	ssettm $0x7FFFFFFF  }
0xc5: {  	_ =	shalt  }
tec
execute0_lowered:
.L_overlay_start_1:
0x0: {  	(tag) =	ssettag $0x1  }
0x1: {  	s1 =	rddreg [dreg:$0x0];
	s0 =	srdreg.scid  }
0x2: {  	s3 =	stileid.u32;
	s2 =	rddreg [dreg:$0x1]  }
0x3: {  	s4 =	rddreg [dreg:$0x2];
	s18 =	simm.s32 $0x100;
	s31 =	simm.s32 $0x1  }
0x4: {  	s19 =	simm.s32 $0x4900;
	s9 =	simm.s32 $0x7900;
	s28 =	simm.s32 $0x9900  }
0x5: {  	s29 =	simm.s32 $0xA100;
	s30 =	simm.s32 $0xA900;
	s10 =	simm.s32 $0xB100  }
0x6: {  	s11 =	simm.s32 $0xB900;
	s12 =	simm.s32 $0xC100;
	s13 =	simm.s32 $0xC900  }
0x7: {  	s14 =	simm.s32 $0xD100;
	s15 =	simm.s32 $0xD900;
	s16 =	simm.s32 $0xE100  }
0x8: {  	s17 =	simm.s32 $0xE900;
	s0 =	sand.u32 $0x1, s0;
	s3 =	sshll.u32 s3, $0x1  }
0x9: {  	s5 =	sor.u32 s0, s3;
	s3 =	simm.s32 $0x0;
	s0 =	ssub.s32 $0x2, s0  }
0xa: {  	s5 =	smul.u32 $0xC8, s5;
	[smem:$0x7FF] =	sst s3;
	s24 =	sshrl.u32 s0, $0x1  }
0xb: {  	s4 =	sadd.s32 $0x800, s4;
	_ =	strace $0x80000047;
	s0 =	ssub.s32 s0, s24  }
0xc: {  	s24 =	simm.s32 $0x7100;
	s6 =	sshrl.u32 s5, $0x3;
	s7 =	sadd.s32 $0x28, s5  }
0xd: {  	s5 =	sadd.s32 $0x78, s5;
	s8 =	smul.u32 $0x300, s6;
	s7 =	sshrl.u32 s7, $0x3  }
0xe: {  	s2 =	sadd.s32 s2, s6;
	s21 =	sshrl.u32 s5, $0x3;
	s5 =	sadd.s32 $0x100, s1  }
0xf: {  	s6 =	sadd.s32 $0x200, s1;
	s20 =	smul.u32 $0x300, s7;
	[dreg:$0x4] =	wrdreg s2  }
0x10: {  	s2 =	smul.u32 $0x300, s21;
	s7 =	smax.u32 s0, $0x1;
	s22 =	sadd.s32 s4, s8  }
0x11: {  	s21 =	simm.s32 $0x5900;
	s23 =	sadd.s32 s4, s20;
	[dreg:$0x9] =	wrdreg s22  }
0x12: {  	s8 =	simm.s32 $0x3;
	s25 =	sadd.s32 $0x1E00, s22;
	[dreg:$0x5] =	wrdreg s23  }
0x13: {  	s2 =	sadd.s32 s4, s2;
	s26 =	sadd.s32 $0x3C00, s22;
	[dreg:$0x6] =	wrdreg s25  }
0x14: {  	v2 =	vlaneseq.u32;
	s20 =	simm.s32 $0x5100;
	s22 =	simm.s32 $0x6100;
	[dreg:$0x7] =	wrdreg s2  }
0x15: {  	vm0 =	vmmov $0xffff;
	v1 =	vshrl.u32 v2, $0x3;
	s4 =	simm.s32 $0x8100;
	[dreg:$0x8] =	wrdreg s26;
	s2 =	simm.s32 $0x2  }
0x16: {  	v0 =	vand.u32 $0x7, v2;
	v2 =	vor.u32 $0x8, v2;
	v1 =	vmul.u32 $0x8, v1;
	s23 =	simm.s32 $0x6900;
	s25 =	simm.s32 $0x8900;
	s26 =	simm.s32 $0x9100  }
.LBB2_1:
0x17: {  	s0 =	rddreg [dreg:$0x4]  }
0x18: {  	[tilespmem:s3], [sflag:$0x3] =	stream.linear.gather [hbm4b:s0+s3], $0xC8, $0x38;
	[tilespmem:$0xF100] =	vst v63  }
0x19: {  	_ =	swait.ge [sflag:s8], $0xC8  }
0x1a: {  	[sflag:s8] =	ssyncset.done $0x0  }
0x1b: {  	[sflag:s8] =	ssyncadd.s32 $0xFFFFFF38  }
0x1c: {  	v3 =	vld [tilespmem:$0x0];
	_ =	sdelay $0x4  }
0x1d: {  	v4 =	vshrl.u32 v3, $0x3  }
0x1e: {  	v4 =	vmul.u32 $0x30, v4  }
0x1f: {  	v3 =	vand.u32 $0x7, v3  }
0x20: {  	v3 =	vor.u32 v3, v4  }
0x21: {  	v4 =	vperm.xlane v3, v0;
	_ =	sdelay $0x1  }
0x22: {  	v4 =	vadd.s32 v1, v4;
	_ =	sdelay $0x3  }
0x23: {  	v3 =	vperm.xlane v3, v2  }
0x24: {  	[tilespmem:s18], [sflag:$0x1] =	stream.indirect_vreg.gather [hbm4b:s1+s3], $0x80, v4, vm0, $0xb8;
	[tilespmem:$0xF100] =	vst v63  }
0x25: {  	s0 =	simm.s32 $0x900;
	v3 =	vadd.s32 v1, v3  }
0x26: {  	[tilespmem:s0], [sflag:$0x1] =	stream.indirect_vreg.gather [hbm4b:s5+s3], $0x80, v4, vm0, $0xb8;
	[tilespmem:$0xF100] =	vst v63  }
0x27: {  	s0 =	simm.s32 $0x1100  }
0x28: {  	[tilespmem:s0], [sflag:$0x1] =	stream.indirect_vreg.gather [hbm4b:s6+s3], $0x80, v4, vm0, $0xb8;
	[tilespmem:$0xF100] =	vst v63  }
0x29: {  	s0 =	simm.s32 $0x1900  }
0x2a: {  	[tilespmem:s0], [sflag:$0x1] =	stream.indirect_vreg.gather [hbm4b:s1+s3], $0x80, v3, vm0, $0xb8;
	[tilespmem:$0xF100] =	vst v63  }
0x2b: {  	s0 =	simm.s32 $0x2100  }
0x2c: {  	[tilespmem:s0], [sflag:$0x1] =	stream.indirect_vreg.gather [hbm4b:s5+s3], $0x80, v3, vm0, $0xb8;
	[tilespmem:$0xF100] =	vst v63  }
0x2d: {  	s0 =	simm.s32 $0x2900  }
0x2e: {  	[tilespmem:s0], [sflag:$0x1] =	stream.indirect_vreg.gather [hbm4b:s6+s3], $0x80, v3, vm0, $0xb8;
	[tilespmem:$0xF100] =	vst v63  }
0x2f: {  	v3 =	vld [tilespmem:$0x10];
	_ =	sdelay $0x4  }
0x30: {  	v50 =	vshrl.u32 v3, $0x3  }
0x31: {  	v4 =	vmul.u32 $0x30, v50  }
0x32: {  	v3 =	vand.u32 $0x7, v3  }
0x33: {  	v3 =	vor.u32 v3, v4  }
0x34: {  	v4 =	vperm.xlane v3, v0;
	_ =	sdelay $0x1  }
0x35: {  	v4 =	vadd.s32 v1, v4;
	_ =	sdelay $0x3  }
0x36: {  	s0 =	simm.s32 $0x3100;
	v3 =	vperm.xlane v3, v2  }
0x37: {  	[tilespmem:s0], [sflag:$0x1] =	stream.indirect_vreg.gather [hbm4b:s1+s3], $0x80, v4, vm0, $0xb8;
	[tilespmem:$0xF100] =	vst v63  }
0x38: {  	v3 =	vadd.s32 v1, v3;
	s0 =	simm.s32 $0x3900  }
0x39: {  	[tilespmem:s0], [sflag:$0x1] =	stream.indirect_vreg.gather [hbm4b:s5+s3], $0x80, v4, vm0, $0xb8;
	[tilespmem:$0xF100] =	vst v63  }
0x3a: {  	s0 =	simm.s32 $0x4100  }
0x3b: {  	[tilespmem:s0], [sflag:$0x1] =	stream.indirect_vreg.gather [hbm4b:s6+s3], $0x80, v4, vm0, $0xb8;
	[tilespmem:$0xF100] =	vst v63  }
0x3c: {  	_ = 	snop  }
0x3d: {  	[tilespmem:s19], [sflag:$0x1] =	stream.indirect_vreg.gather [hbm4b:s1+s3], $0x80, v3, vm0, $0xb8;
	[tilespmem:$0xF100] =	vst v63  }
0x3e: {  	_ = 	snop  }
0x3f: {  	[tilespmem:s20], [sflag:$0x1] =	stream.indirect_vreg.gather [hbm4b:s5+s3], $0x80, v3, vm0, $0xb8;
	[tilespmem:$0xF100] =	vst v63  }
0x40: {  	_ = 	snop  }
0x41: {  	[tilespmem:s21], [sflag:$0x1] =	stream.indirect_vreg.gather [hbm4b:s6+s3], $0x80, v3, vm0, $0xb8;
	[tilespmem:$0xF100] =	vst v63  }
0x42: {  	v3 =	vld.msk [tilespmem:$0x20], $0xff;
	_ =	sdelay $0x4  }
0x43: {  	v51 =	vshrl.u32 v3, $0x3  }
0x44: {  	v4 =	vmul.u32 $0x30, v51  }
0x45: {  	v3 =	vand.u32 $0x7, v3  }
0x46: {  	v3 =	vor.u32 v3, v4  }
0x47: {  	v3 =	vperm.xlane v3, v0;
	_ =	sdelay $0x1  }
0x48: {  	v3 =	vadd.s32 v1, v3;
	_ =	sdelay $0x4  }
0x49: {  	[tilespmem:s22], [sflag:$0x1] =	stream.indirect_vreg.gather [hbm4b:s1+s3], $0x80, v3, vm0, $0xb8;
	[tilespmem:$0xF100] =	vst v63  }
0x4a: {  	_ = 	snop  }
0x4b: {  	[tilespmem:s23], [sflag:$0x1] =	stream.indirect_vreg.gather [hbm4b:s5+s3], $0x80, v3, vm0, $0xb8;
	[tilespmem:$0xF100] =	vst v63  }
0x4c: {  	_ = 	snop  }
0x4d: {  	[tilespmem:s24], [sflag:$0x1] =	stream.indirect_vreg.gather [hbm4b:s6+s3], $0x80, v3, vm0, $0xb8;
	[tilespmem:$0xF100] =	vst v63  }
0x4e: {  	v3 =	vld [tilespmem:$0x28];
	_ =	sdelay $0x4  }
0x4f: {  	v52 =	vshrl.u32 v3, $0x3  }
0x50: {  	v4 =	vmul.u32 $0x30, v52  }
0x51: {  	v3 =	vand.u32 $0x7, v3  }
0x52: {  	v3 =	vor.u32 v3, v4  }
0x53: {  	v4 =	vperm.xlane v3, v0;
	_ =	sdelay $0x1  }
0x54: {  	v4 =	vadd.s32 v1, v4;
	_ =	sdelay $0x3  }
0x55: {  	v3 =	vperm.xlane v3, v2  }
0x56: {  	[tilespmem:s9], [sflag:$0x2] =	stream.indirect_vreg.gather [hbm4b:s1+s3], $0x80, v4, vm0, $0xb8;
	[tilespmem:$0xF100] =	vst v63  }
0x57: {  	v3 =	vadd.s32 v1, v3  }
0x58: {  	[tilespmem:s4], [sflag:$0x2] =	stream.indirect_vreg.gather [hbm4b:s5+s3], $0x80, v4, vm0, $0xb8;
	[tilespmem:$0xF100] =	vst v63  }
0x59: {  	_ = 	snop  }
0x5a: {  	[tilespmem:s25], [sflag:$0x2] =	stream.indirect_vreg.gather [hbm4b:s6+s3], $0x80, v4, vm0, $0xb8;
	[tilespmem:$0xF100] =	vst v63  }
0x5b: {  	_ = 	snop  }
0x5c: {  	[tilespmem:s26], [sflag:$0x2] =	stream.indirect_vreg.gather [hbm4b:s1+s3], $0x80, v3, vm0, $0xb8;
	[tilespmem:$0xF100] =	vst v63  }
0x5d: {  	_ = 	snop  }
0x5e: {  	[tilespmem:s28], [sflag:$0x2] =	stream.indirect_vreg.gather [hbm4b:s5+s3], $0x80, v3, vm0, $0xb8;
	[tilespmem:$0xF100] =	vst v63  }
0x5f: {  	_ = 	snop  }
0x60: {  	[tilespmem:s29], [sflag:$0x2] =	stream.indirect_vreg.gather [hbm4b:s6+s3], $0x80, v3, vm0, $0xb8;
	[tilespmem:$0xF100] =	vst v63  }
0x61: {  	v3 =	vld [tilespmem:$0x38];
	_ =	sdelay $0x4  }
0x62: {  	v53 =	vshrl.u32 v3, $0x3  }
0x63: {  	v4 =	vmul.u32 $0x30, v53  }
0x64: {  	v3 =	vand.u32 $0x7, v3  }
0x65: {  	v3 =	vor.u32 v3, v4  }
0x66: {  	v4 =	vperm.xlane v3, v0;
	_ =	sdelay $0x1  }
0x67: {  	v4 =	vadd.s32 v1, v4;
	_ =	sdelay $0x3  }
0x68: {  	v3 =	vperm.xlane v3, v2  }
0x69: {  	[tilespmem:s30], [sflag:$0x2] =	stream.indirect_vreg.gather [hbm4b:s1+s3], $0x80, v4, vm0, $0xb8;
	[tilespmem:$0xF100] =	vst v63  }
0x6a: {  	v3 =	vadd.s32 v1, v3  }
0x6b: {  	[tilespmem:s10], [sflag:$0x2] =	stream.indirect_vreg.gather [hbm4b:s5+s3], $0x80, v4, vm0, $0xb8;
	[tilespmem:$0xF100] =	vst v63  }
0x6c: {  	_ = 	snop  }
0x6d: {  	[tilespmem:s11], [sflag:$0x2] =	stream.indirect_vreg.gather [hbm4b:s6+s3], $0x80, v4, vm0, $0xb8;
	[tilespmem:$0xF100] =	vst v63  }
0x6e: {  	_ = 	snop  }
0x6f: {  	[tilespmem:s12], [sflag:$0x2] =	stream.indirect_vreg.gather [hbm4b:s1+s3], $0x80, v3, vm0, $0xb8;
	[tilespmem:$0xF100] =	vst v63  }
0x70: {  	_ = 	snop  }
0x71: {  	[tilespmem:s13], [sflag:$0x2] =	stream.indirect_vreg.gather [hbm4b:s5+s3], $0x80, v3, vm0, $0xb8;
	[tilespmem:$0xF100] =	vst v63  }
0x72: {  	_ = 	snop  }
0x73: {  	[tilespmem:s14], [sflag:$0x2] =	stream.indirect_vreg.gather [hbm4b:s6+s3], $0x80, v3, vm0, $0xb8;
	[tilespmem:$0xF100] =	vst v63  }
0x74: {  	v3 =	vld.msk [tilespmem:$0x48], $0xff;
	_ =	sdelay $0x4  }
0x75: {  	v54 =	vshrl.u32 v3, $0x3  }
0x76: {  	v4 =	vmul.u32 $0x30, v54  }
0x77: {  	v3 =	vand.u32 $0x7, v3  }
0x78: {  	v3 =	vor.u32 v3, v4  }
0x79: {  	v3 =	vperm.xlane v3, v0;
	_ =	sdelay $0x1  }
0x7a: {  	v3 =	vadd.s32 v1, v3;
	_ =	sdelay $0x4  }
0x7b: {  	[tilespmem:s15], [sflag:$0x2] =	stream.indirect_vreg.gather [hbm4b:s1+s3], $0x80, v3, vm0, $0xb8;
	[tilespmem:$0xF100] =	vst v63  }
0x7c: {  	_ = 	snop  }
0x7d: {  	[tilespmem:s16], [sflag:$0x2] =	stream.indirect_vreg.gather [hbm4b:s5+s3], $0x80, v3, vm0, $0xb8;
	[tilespmem:$0xF100] =	vst v63  }
0x7e: {  	_ = 	snop  }
0x7f: {  	[tilespmem:s17], [sflag:$0x2] =	stream.indirect_vreg.gather [hbm4b:s6+s3], $0x80, v3, vm0, $0xb8;
	[tilespmem:$0xF100] =	vst v63  }
0x80: {  	_ =	swait.ge [sflag:s31], $0x7800  }
0x81: {  	[sflag:s31] =	ssyncset.done $0x0  }
0x82: {  	s0 =	rddreg [dreg:$0x9];
	[sflag:s31] =	ssyncadd.s32 $0xFFFF8800  }
0x83: {  	[hbm4b:s0+s3] =	stream.linear.scatter [tilespmem:s18], [sflag:$0x3], $0x7800, $0x38;
	[tilespmem:$0xF100] =	vst v63  }
0x84: {  	_ =	swait.ge [sflag:s8], $0x7800  }
0x85: {  	[sflag:s8] =	ssyncset.done $0x0  }
0x86: {  	[sflag:s8] =	ssyncadd.s32 $0xFFFF8800  }
0x87: {  	v3 =	vld [tilespmem:$0x50];
	_ =	sdelay $0x4  }
0x88: {  	v55 =	vshrl.u32 v3, $0x3  }
0x89: {  	v4 =	vmul.u32 $0x30, v55  }
0x8a: {  	v3 =	vand.u32 $0x7, v3  }
0x8b: {  	v3 =	vor.u32 v3, v4  }
0x8c: {  	v4 =	vperm.xlane v3, v0;
	_ =	sdelay $0x1  }
0x8d: {  	v4 =	vadd.s32 v1, v4;
	_ =	sdelay $0x3  }
0x8e: {  	v3 =	vperm.xlane v3, v2  }
0x8f: {  	[tilespmem:s18], [sflag:$0x1] =	stream.indirect_vreg.gather [hbm4b:s1+s3], $0x80, v4, vm0, $0xb8;
	[tilespmem:$0xF100] =	vst v63  }
0x90: {  	s0 =	simm.s32 $0x900;
	v3 =	vadd.s32 v1, v3  }
0x91: {  	[tilespmem:s0], [sflag:$0x1] =	stream.indirect_vreg.gather [hbm4b:s5+s3], $0x80, v4, vm0, $0xb8;
	[tilespmem:$0xF100] =	vst v63  }
0x92: {  	s0 =	simm.s32 $0x1100  }
0x93: {  	[tilespmem:s0], [sflag:$0x1] =	stream.indirect_vreg.gather [hbm4b:s6+s3], $0x80, v4, vm0, $0xb8;
	[tilespmem:$0xF100] =	vst v63  }
0x94: {  	s0 =	simm.s32 $0x1900  }
0x95: {  	[tilespmem:s0], [sflag:$0x1] =	stream.indirect_vreg.gather [hbm4b:s1+s3], $0x80, v3, vm0, $0xb8;
	[tilespmem:$0xF100] =	vst v63  }
0x96: {  	s0 =	simm.s32 $0x2100  }
0x97: {  	[tilespmem:s0], [sflag:$0x1] =	stream.indirect_vreg.gather [hbm4b:s5+s3], $0x80, v3, vm0, $0xb8;
	[tilespmem:$0xF100] =	vst v63  }
0x98: {  	s0 =	simm.s32 $0x2900  }
0x99: {  	[tilespmem:s0], [sflag:$0x1] =	stream.indirect_vreg.gather [hbm4b:s6+s3], $0x80, v3, vm0, $0xb8;
	[tilespmem:$0xF100] =	vst v63  }
0x9a: {  	v3 =	vld [tilespmem:$0x60];
	_ =	sdelay $0x4  }
0x9b: {  	v56 =	vshrl.u32 v3, $0x3  }
0x9c: {  	v4 =	vmul.u32 $0x30, v56  }
0x9d: {  	v3 =	vand.u32 $0x7, v3  }
0x9e: {  	v3 =	vor.u32 v3, v4  }
0x9f: {  	v4 =	vperm.xlane v3, v0;
	_ =	sdelay $0x1  }
0xa0: {  	v4 =	vadd.s32 v1, v4;
	_ =	sdelay $0x3  }
0xa1: {  	s0 =	simm.s32 $0x3100;
	v3 =	vperm.xlane v3, v2  }
0xa2: {  	[tilespmem:s0], [sflag:$0x1] =	stream.indirect_vreg.gather [hbm4b:s1+s3], $0x80, v4, vm0, $0xb8;
	[tilespmem:$0xF100] =	vst v63  }
0xa3: {  	v3 =	vadd.s32 v1, v3;
	s0 =	simm.s32 $0x3900  }
0xa4: {  	[tilespmem:s0], [sflag:$0x1] =	stream.indirect_vreg.gather [hbm4b:s5+s3], $0x80, v4, vm0, $0xb8;
	[tilespmem:$0xF100] =	vst v63  }
0xa5: {  	s0 =	simm.s32 $0x4100  }
0xa6: {  	[tilespmem:s0], [sflag:$0x1] =	stream.indirect_vreg.gather [hbm4b:s6+s3], $0x80, v4, vm0, $0xb8;
	[tilespmem:$0xF100] =	vst v63  }
0xa7: {  	_ = 	snop  }
0xa8: {  	[tilespmem:s19], [sflag:$0x1] =	stream.indirect_vreg.gather [hbm4b:s1+s3], $0x80, v3, vm0, $0xb8;
	[tilespmem:$0xF100] =	vst v63  }
0xa9: {  	_ = 	snop  }
0xaa: {  	[tilespmem:s20], [sflag:$0x1] =	stream.indirect_vreg.gather [hbm4b:s5+s3], $0x80, v3, vm0, $0xb8;
	[tilespmem:$0xF100] =	vst v63  }
0xab: {  	_ = 	snop  }
0xac: {  	[tilespmem:s21], [sflag:$0x1] =	stream.indirect_vreg.gather [hbm4b:s6+s3], $0x80, v3, vm0, $0xb8;
	[tilespmem:$0xF100] =	vst v63  }
0xad: {  	v3 =	vld.msk [tilespmem:$0x70], $0xff;
	_ =	sdelay $0x4  }
0xae: {  	v57 =	vshrl.u32 v3, $0x3  }
0xaf: {  	v4 =	vmul.u32 $0x30, v57  }
0xb0: {  	v3 =	vand.u32 $0x7, v3  }
0xb1: {  	v3 =	vor.u32 v3, v4  }
0xb2: {  	v3 =	vperm.xlane v3, v0;
	_ =	sdelay $0x1  }
0xb3: {  	v3 =	vadd.s32 v1, v3;
	_ =	sdelay $0x4  }
0xb4: {  	[tilespmem:s22], [sflag:$0x1] =	stream.indirect_vreg.gather [hbm4b:s1+s3], $0x80, v3, vm0, $0xb8;
	[tilespmem:$0xF100] =	vst v63  }
0xb5: {  	_ = 	snop  }
0xb6: {  	[tilespmem:s23], [sflag:$0x1] =	stream.indirect_vreg.gather [hbm4b:s5+s3], $0x80, v3, vm0, $0xb8;
	[tilespmem:$0xF100] =	vst v63  }
0xb7: {  	_ = 	snop  }
0xb8: {  	[tilespmem:s24], [sflag:$0x1] =	stream.indirect_vreg.gather [hbm4b:s6+s3], $0x80, v3, vm0, $0xb8;
	[tilespmem:$0xF100] =	vst v63  }
0xb9: {  	_ =	swait.ge [sflag:s2], $0x7800  }
0xba: {  	[sflag:s2] =	ssyncset.done $0x0  }
0xbb: {  	s0 =	rddreg [dreg:$0x5];
	[sflag:s2] =	ssyncadd.s32 $0xFFFF8800  }
0xbc: {  	[hbm4b:s0+s3] =	stream.linear.scatter [tilespmem:s9], [sflag:$0x3], $0x7800, $0x38;
	[tilespmem:$0xF100] =	vst v63  }
0xbd: {  	_ =	swait.ge [sflag:s8], $0x7800  }
0xbe: {  	[sflag:s8] =	ssyncset.done $0x0  }
0xbf: {  	[sflag:s8] =	ssyncadd.s32 $0xFFFF8800  }
0xc0: {  	v3 =	vld [tilespmem:$0x78];
	_ =	sdelay $0x4  }
0xc1: {  	v58 =	vshrl.u32 v3, $0x3  }
0xc2: {  	v4 =	vmul.u32 $0x30, v58  }
0xc3: {  	v3 =	vand.u32 $0x7, v3  }
0xc4: {  	v3 =	vor.u32 v3, v4  }
0xc5: {  	v4 =	vperm.xlane v3, v0;
	_ =	sdelay $0x1  }
0xc6: {  	v4 =	vadd.s32 v1, v4;
	_ =	sdelay $0x3  }
0xc7: {  	v3 =	vperm.xlane v3, v2  }
0xc8: {  	[tilespmem:s9], [sflag:$0x2] =	stream.indirect_vreg.gather [hbm4b:s1+s3], $0x80, v4, vm0, $0xb8;
	[tilespmem:$0xF100] =	vst v63  }
0xc9: {  	v3 =	vadd.s32 v1, v3  }
0xca: {  	[tilespmem:s4], [sflag:$0x2] =	stream.indirect_vreg.gather [hbm4b:s5+s3], $0x80, v4, vm0, $0xb8;
	[tilespmem:$0xF100] =	vst v63  }
0xcb: {  	_ = 	snop  }
0xcc: {  	[tilespmem:s25], [sflag:$0x2] =	stream.indirect_vreg.gather [hbm4b:s6+s3], $0x80, v4, vm0, $0xb8;
	[tilespmem:$0xF100] =	vst v63  }
0xcd: {  	_ = 	snop  }
0xce: {  	[tilespmem:s26], [sflag:$0x2] =	stream.indirect_vreg.gather [hbm4b:s1+s3], $0x80, v3, vm0, $0xb8;
	[tilespmem:$0xF100] =	vst v63  }
0xcf: {  	_ = 	snop  }
0xd0: {  	[tilespmem:s28], [sflag:$0x2] =	stream.indirect_vreg.gather [hbm4b:s5+s3], $0x80, v3, vm0, $0xb8;
	[tilespmem:$0xF100] =	vst v63  }
0xd1: {  	_ = 	snop  }
0xd2: {  	[tilespmem:s29], [sflag:$0x2] =	stream.indirect_vreg.gather [hbm4b:s6+s3], $0x80, v3, vm0, $0xb8;
	[tilespmem:$0xF100] =	vst v63  }
0xd3: {  	v3 =	vld [tilespmem:$0x88];
	_ =	sdelay $0x4  }
0xd4: {  	v59 =	vshrl.u32 v3, $0x3  }
0xd5: {  	v4 =	vmul.u32 $0x30, v59  }
0xd6: {  	v3 =	vand.u32 $0x7, v3  }
0xd7: {  	v3 =	vor.u32 v3, v4  }
0xd8: {  	v4 =	vperm.xlane v3, v0;
	_ =	sdelay $0x1  }
0xd9: {  	v4 =	vadd.s32 v1, v4;
	_ =	sdelay $0x3  }
0xda: {  	v3 =	vperm.xlane v3, v2  }
0xdb: {  	[tilespmem:s30], [sflag:$0x2] =	stream.indirect_vreg.gather [hbm4b:s1+s3], $0x80, v4, vm0, $0xb8;
	[tilespmem:$0xF100] =	vst v63  }
0xdc: {  	v3 =	vadd.s32 v1, v3  }
0xdd: {  	[tilespmem:s10], [sflag:$0x2] =	stream.indirect_vreg.gather [hbm4b:s5+s3], $0x80, v4, vm0, $0xb8;
	[tilespmem:$0xF100] =	vst v63  }
0xde: {  	_ = 	snop  }
0xdf: {  	[tilespmem:s11], [sflag:$0x2] =	stream.indirect_vreg.gather [hbm4b:s6+s3], $0x80, v4, vm0, $0xb8;
	[tilespmem:$0xF100] =	vst v63  }
0xe0: {  	_ = 	snop  }
0xe1: {  	[tilespmem:s12], [sflag:$0x2] =	stream.indirect_vreg.gather [hbm4b:s1+s3], $0x80, v3, vm0, $0xb8;
	[tilespmem:$0xF100] =	vst v63  }
0xe2: {  	_ = 	snop  }
0xe3: {  	[tilespmem:s13], [sflag:$0x2] =	stream.indirect_vreg.gather [hbm4b:s5+s3], $0x80, v3, vm0, $0xb8;
	[tilespmem:$0xF100] =	vst v63  }
0xe4: {  	_ = 	snop  }
0xe5: {  	[tilespmem:s14], [sflag:$0x2] =	stream.indirect_vreg.gather [hbm4b:s6+s3], $0x80, v3, vm0, $0xb8;
	[tilespmem:$0xF100] =	vst v63  }
0xe6: {  	v3 =	vld.msk [tilespmem:$0x98], $0xff;
	_ =	sdelay $0x4  }
0xe7: {  	v60 =	vshrl.u32 v3, $0x3  }
0xe8: {  	v4 =	vmul.u32 $0x30, v60  }
0xe9: {  	v3 =	vand.u32 $0x7, v3  }
0xea: {  	v3 =	vor.u32 v3, v4  }
0xeb: {  	v3 =	vperm.xlane v3, v0;
	_ =	sdelay $0x1  }
0xec: {  	v3 =	vadd.s32 v1, v3;
	_ =	sdelay $0x4  }
0xed: {  	[tilespmem:s15], [sflag:$0x2] =	stream.indirect_vreg.gather [hbm4b:s1+s3], $0x80, v3, vm0, $0xb8;
	[tilespmem:$0xF100] =	vst v63  }
0xee: {  	_ = 	snop  }
0xef: {  	[tilespmem:s16], [sflag:$0x2] =	stream.indirect_vreg.gather [hbm4b:s5+s3], $0x80, v3, vm0, $0xb8;
	[tilespmem:$0xF100] =	vst v63  }
0xf0: {  	_ = 	snop  }
0xf1: {  	[tilespmem:s17], [sflag:$0x2] =	stream.indirect_vreg.gather [hbm4b:s6+s3], $0x80, v3, vm0, $0xb8;
	[tilespmem:$0xF100] =	vst v63  }
0xf2: {  	_ =	swait.ge [sflag:s31], $0x7800  }
0xf3: {  	[sflag:s31] =	ssyncset.done $0x0  }
0xf4: {  	s0 =	rddreg [dreg:$0x6];
	[sflag:s31] =	ssyncadd.s32 $0xFFFF8800  }
0xf5: {  	[hbm4b:s0+s3] =	stream.linear.scatter [tilespmem:s18], [sflag:$0x3], $0x7800, $0x38;
	[tilespmem:$0xF100] =	vst v63  }
0xf6: {  	_ =	swait.ge [sflag:s8], $0x7800  }
0xf7: {  	[sflag:s8] =	ssyncset.done $0x0  }
0xf8: {  	[sflag:s8] =	ssyncadd.s32 $0xFFFF8800  }
0xf9: {  	v3 =	vld [tilespmem:$0xA0];
	_ =	sdelay $0x4  }
0xfa: {  	v61 =	vshrl.u32 v3, $0x3  }
0xfb: {  	v4 =	vmul.u32 $0x30, v61  }
0xfc: {  	v3 =	vand.u32 $0x7, v3  }
0xfd: {  	v3 =	vor.u32 v3, v4  }
0xfe: {  	v4 =	vperm.xlane v3, v0;
	_ =	sdelay $0x1  }
0xff: {  	v4 =	vadd.s32 v1, v4;
	_ =	sdelay $0x3  }
0x100: {  	v3 =	vperm.xlane v3, v2  }
0x101: {  	[tilespmem:s18], [sflag:$0x1] =	stream.indirect_vreg.gather [hbm4b:s1+s3], $0x80, v4, vm0, $0xb8;
	[tilespmem:$0xF100] =	vst v63  }
0x102: {  	s0 =	simm.s32 $0x900;
	v3 =	vadd.s32 v1, v3  }
0x103: {  	[tilespmem:s0], [sflag:$0x1] =	stream.indirect_vreg.gather [hbm4b:s5+s3], $0x80, v4, vm0, $0xb8;
	[tilespmem:$0xF100] =	vst v63  }
0x104: {  	s0 =	simm.s32 $0x1100  }
0x105: {  	[tilespmem:s0], [sflag:$0x1] =	stream.indirect_vreg.gather [hbm4b:s6+s3], $0x80, v4, vm0, $0xb8;
	[tilespmem:$0xF100] =	vst v63  }
0x106: {  	s0 =	simm.s32 $0x1900  }
0x107: {  	[tilespmem:s0], [sflag:$0x1] =	stream.indirect_vreg.gather [hbm4b:s1+s3], $0x80, v3, vm0, $0xb8;
	[tilespmem:$0xF100] =	vst v63  }
0x108: {  	s0 =	simm.s32 $0x2100  }
0x109: {  	[tilespmem:s0], [sflag:$0x1] =	stream.indirect_vreg.gather [hbm4b:s5+s3], $0x80, v3, vm0, $0xb8;
	[tilespmem:$0xF100] =	vst v63  }
0x10a: {  	s0 =	simm.s32 $0x2900  }
0x10b: {  	[tilespmem:s0], [sflag:$0x1] =	stream.indirect_vreg.gather [hbm4b:s6+s3], $0x80, v3, vm0, $0xb8;
	[tilespmem:$0xF100] =	vst v63  }
0x10c: {  	v3 =	vld [tilespmem:$0xB0];
	_ =	sdelay $0x4  }
0x10d: {  	v62 =	vshrl.u32 v3, $0x3  }
0x10e: {  	v4 =	vmul.u32 $0x30, v62  }
0x10f: {  	v3 =	vand.u32 $0x7, v3  }
0x110: {  	v3 =	vor.u32 v3, v4  }
0x111: {  	v4 =	vperm.xlane v3, v0;
	_ =	sdelay $0x1  }
0x112: {  	v4 =	vadd.s32 v1, v4;
	_ =	sdelay $0x3  }
0x113: {  	s0 =	simm.s32 $0x3100;
	v3 =	vperm.xlane v3, v2  }
0x114: {  	[tilespmem:s0], [sflag:$0x1] =	stream.indirect_vreg.gather [hbm4b:s1+s3], $0x80, v4, vm0, $0xb8;
	[tilespmem:$0xF100] =	vst v63  }
0x115: {  	v3 =	vadd.s32 v1, v3;
	s0 =	simm.s32 $0x3900  }
0x116: {  	[tilespmem:s0], [sflag:$0x1] =	stream.indirect_vreg.gather [hbm4b:s5+s3], $0x80, v4, vm0, $0xb8;
	[tilespmem:$0xF100] =	vst v63  }
0x117: {  	s0 =	simm.s32 $0x4100  }
0x118: {  	[tilespmem:s0], [sflag:$0x1] =	stream.indirect_vreg.gather [hbm4b:s6+s3], $0x80, v4, vm0, $0xb8;
	[tilespmem:$0xF100] =	vst v63  }
0x119: {  	_ = 	snop  }
0x11a: {  	[tilespmem:s19], [sflag:$0x1] =	stream.indirect_vreg.gather [hbm4b:s1+s3], $0x80, v3, vm0, $0xb8;
	[tilespmem:$0xF100] =	vst v63  }
0x11b: {  	_ = 	snop  }
0x11c: {  	[tilespmem:s20], [sflag:$0x1] =	stream.indirect_vreg.gather [hbm4b:s5+s3], $0x80, v3, vm0, $0xb8;
	[tilespmem:$0xF100] =	vst v63  }
0x11d: {  	_ = 	snop  }
0x11e: {  	[tilespmem:s21], [sflag:$0x1] =	stream.indirect_vreg.gather [hbm4b:s6+s3], $0x80, v3, vm0, $0xb8;
	[tilespmem:$0xF100] =	vst v63  }
0x11f: {  	v3 =	vld.msk [tilespmem:$0xC0], $0xff;
	_ =	sdelay $0x4  }
0x120: {  	v63 =	vshrl.u32 v3, $0x3  }
0x121: {  	v4 =	vmul.u32 $0x30, v63  }
0x122: {  	v3 =	vand.u32 $0x7, v3  }
0x123: {  	v3 =	vor.u32 v3, v4  }
0x124: {  	v3 =	vperm.xlane v3, v0;
	_ =	sdelay $0x1  }
0x125: {  	v3 =	vadd.s32 v1, v3;
	_ =	sdelay $0x4  }
0x126: {  	[tilespmem:s22], [sflag:$0x1] =	stream.indirect_vreg.gather [hbm4b:s1+s3], $0x80, v3, vm0, $0xb8;
	[tilespmem:$0xF100] =	vst v63  }
0x127: {  	_ = 	snop  }
0x128: {  	[tilespmem:s23], [sflag:$0x1] =	stream.indirect_vreg.gather [hbm4b:s5+s3], $0x80, v3, vm0, $0xb8;
	[tilespmem:$0xF100] =	vst v63  }
0x129: {  	_ = 	snop  }
0x12a: {  	[tilespmem:s24], [sflag:$0x1] =	stream.indirect_vreg.gather [hbm4b:s6+s3], $0x80, v3, vm0, $0xb8;
	[tilespmem:$0xF100] =	vst v63  }
0x12b: {  	_ =	swait.ge [sflag:s2], $0x7800  }
0x12c: {  	[sflag:s2] =	ssyncset.done $0x0  }
0x12d: {  	s0 =	rddreg [dreg:$0x7];
	[sflag:s2] =	ssyncadd.s32 $0xFFFF8800  }
0x12e: {  	[hbm4b:s0+s3] =	stream.linear.scatter [tilespmem:s9], [sflag:$0x3], $0x7800, $0x38;
	[tilespmem:$0xF100] =	vst v63  }
0x12f: {  	_ =	swait.ge [sflag:s8], $0x7800  }
0x130: {  	[sflag:s8] =	ssyncset.done $0x0  }
0x131: {  	[sflag:s8] =	ssyncadd.s32 $0xFFFF8800  }
0x132: {  	_ =	swait.ge [sflag:s31], $0x7800  }
0x133: {  	p0 =	sne.s32 s7, $0x1;
	[sflag:s31] =	ssyncset.done $0x0  }
.Ltmp0:
0x134: {  	s0 =	rddreg [dreg:$0x8];
	[sflag:s31] =	ssyncadd.s32 $0xFFFF8800;
	(pc) =	sbr.rel @p0 .LBB2_1-.Ltmp0, $4  }
0x135: {  	[hbm4b:s0+s3] =	stream.linear.scatter [tilespmem:s18], [sflag:$0x3], $0x7800, $0x38;
	[tilespmem:$0xF100] =	vst v63  }
0x136: {  	_ =	swait.ge [sflag:s8], $0x7800  }
0x137: {  	[sflag:s8] =	ssyncset.done $0x0  }
0x138: {  	s7 =	sadd.s32 $0xFFFFFFFF, s7;
	[sflag:s8] =	ssyncadd.s32 $0xFFFF8800  }
0x139: {  	_ =	sfence.sel $0x180000  }
0x13a: {  	[bflag:$0x0] =	sbarrier.arrive $0xFFFF  }
0x13b: {  	_ =	strace $0x90000047  }
0x13c: {  	s0 =	stileid.u32;
	[bflag:$0x2] =	sbarrier.arrive $0xFFFF  }
0x13d: {  	p0 =	sne.s32 s0, $0x0;
	s0 =	rddreg [dreg:$0x3]  }
0x13e: {  	s0 =	sadd.s32 @!p0 $0x100000, s0  }
0x13f: {  	[sflag:s0] =	ssyncadd.tile.s32 @!p0 $0x1;
	_ =	shalt  }
.Lfunc_end2:
_tile_overlayer_lowered:
.L_overlay_start_2:
0x140: {  	(tag) =	ssettag $0x2  }
0x141: {  	s0 =	rddreg [dreg:$0x0];
	s2 =	stileid.u32  }
0x142: {  	s1 =	rddreg [dreg:$0x1];
	p0 =	sne.s32 s2, $0x0  }
0x143: {  	s3 =	rddreg [dreg:$0x2];
	[bflag:$0x3] =	sbarrier.arrive $0xFFFF;
	s2 =	simm.s32 @!p0 $0x1C03  }
0x144: {  	[timem:s3], [sflag:s2] =	dma.local @!p0 [hbm:s0], s1  }
0x145: {  	s0 =	simm.s32 @!p0 $0x3  }
0x146: {  	_ =	swait.ge @!p0 [sflag:s0], s1  }
0x147: {  	s1 =	ssub.s32 @!p0 $0x0, s1;
	[sflag:s0] =	ssyncset.done @!p0 $0x0  }
0x148: {  	[sflag:s0] =	ssyncadd.s32 @!p0 s1  }
0x149: {  	[bflag:$0x3] =	sbarrier.arrive $0xFFFF  }
0x14a: {  	_ =	shalt  }

</sc_bundles>
